<compile_context>
chip_gen: v7x
topology: tpu7x:2x2x1
jax: 0.10.2.dev20260603
libtpu: 0.0.44.dev20260713+nightly
codegen_flags: <defaults>
</compile_context>

<pallas_src>
import functools

import jax
import jax.numpy as jnp
from jax import lax
from jax.experimental import pallas as pl
from jax.experimental.pallas import tpu as pltpu, tpu_sc as plsc

NUM_NODES = 10000
NUM_EDGES = 320000
HIDDEN = 128

EDGES_A = 160000
EDGES_B = NUM_EDGES - EDGES_A

NC = 2
NS = 16
NBUF = 3
CHUNK = 128
ROWS_MAIN = 640
ROWS_TAIL = NUM_NODES - (NS - 1) * ROWS_MAIN

EDGE_BLOCK = 16000
NODE_BLOCK = 1000


def _edge_body(rbft_ref, x_ref, wt_ref, t_ref):
    s = lax.dot_general(
        rbft_ref[...], wt_ref[...], (((0,), (0,)), ((), ())),
        preferred_element_type=jnp.float32,
    )
    t_ref[...] = s * x_ref[...]


def _edge_stage(rbft, x, wt, start_edge, n_edges):
    grid = (n_edges // EDGE_BLOCK,)
    off = start_edge // EDGE_BLOCK
    return pl.pallas_call(
        _edge_body,
        grid=grid,
        in_specs=[
            pl.BlockSpec((rbft.shape[0], EDGE_BLOCK), lambda i: (0, i + off)),
            pl.BlockSpec((EDGE_BLOCK, HIDDEN), lambda i: (i + off, 0)),
            pl.BlockSpec(wt.shape, lambda i: (0, 0)),
        ],
        out_specs=pl.BlockSpec((EDGE_BLOCK, HIDDEN), lambda i: (i, 0)),
        out_shape=jax.ShapeDtypeStruct((n_edges, HIDDEN), jnp.float32),
    )(rbft, x, wt)


def _scatter_body(start_edge, edges_per_core, edges_per_sub, num_chunks, tail,
                  t_hbm, i_hbm, z_hbm, out_hbm,
                  idx0, rows0, idx1, rows1, idx2, rows2, idx_t,
                  sem_i0, sem_r0, sem_i1, sem_r1, sem_i2, sem_r2, acc_sh):
    c = lax.axis_index("c")
    s = lax.axis_index("s")

    @pl.when(s < NS - 1)
    def _():
        pltpu.sync_copy(
            z_hbm.at[pl.ds(s * ROWS_MAIN, ROWS_MAIN)],
            acc_sh.at[pl.ds(s * ROWS_MAIN, ROWS_MAIN)],
        )

    @pl.when(s == NS - 1)
    def _():
        pltpu.sync_copy(
            z_hbm.at[pl.ds((NS - 1) * ROWS_MAIN, ROWS_TAIL)],
            acc_sh.at[pl.ds((NS - 1) * ROWS_MAIN, ROWS_TAIL)],
        )

    plsc.subcore_barrier()

    base0 = c * edges_per_core + s * edges_per_sub

    pltpu.sync_copy(i_hbm.at[pl.ds(start_edge + base0, tail)], idx_t)
    pltpu.sync_copy(t_hbm.at[pl.ds(base0, tail)], rows0.at[pl.ds(0, tail)])
    pltpu.sync_copy(rows0.at[pl.ds(0, tail)], acc_sh.at[idx_t], add=True)

    bufs = ((idx0, rows0, sem_i0, sem_r0),
            (idx1, rows1, sem_i1, sem_r1),
            (idx2, rows2, sem_i2, sem_r2))

    def start_load(k, idx_v, rows_v, sem_i, sem_r):
        base = base0 + tail + k * CHUNK
        pltpu.async_copy(i_hbm.at[pl.ds(start_edge + base, CHUNK)], idx_v, sem_i)
        pltpu.async_copy(t_hbm.at[pl.ds(base, CHUNK)], rows_v, sem_r)

    def wait_load(k, idx_v, rows_v, sem_i, sem_r):
        base = base0 + tail + k * CHUNK
        pltpu.make_async_copy(
            i_hbm.at[pl.ds(start_edge + base, CHUNK)], idx_v, sem_i).wait()
        pltpu.make_async_copy(t_hbm.at[pl.ds(base, CHUNK)], rows_v, sem_r).wait()

    start_load(0, *bufs[0])
    start_load(1, *bufs[1])

    def step(k, b):
        idx_v, rows_v, sem_i, sem_r = bufs[b]
        wait_load(k, idx_v, rows_v, sem_i, sem_r)

        if isinstance(k, int):
            if k + 2 < num_chunks:
                start_load(k + 2, *bufs[(b + 2) % NBUF])
        else:
            @pl.when(k + 2 < num_chunks)
            def _():
                start_load(k + 2, *bufs[(b + 2) % NBUF])

        pltpu.sync_copy(rows_v, acc_sh.at[idx_v], add=True)

    def group(p, _):
        for b in range(NBUF):
            step(NBUF * p + b, b)
        return _

    full_groups = num_chunks // NBUF
    lax.fori_loop(0, full_groups, group, None)
    for k in range(full_groups * NBUF, num_chunks):
        step(k, k % NBUF)

    plsc.subcore_barrier()

    @pl.when(s < NS - 1)
    def _():
        pltpu.sync_copy(
            acc_sh.at[pl.ds(s * ROWS_MAIN, ROWS_MAIN)],
            out_hbm.at[c, pl.ds(s * ROWS_MAIN, ROWS_MAIN)],
        )

    @pl.when(s == NS - 1)
    def _():
        pltpu.sync_copy(
            acc_sh.at[pl.ds((NS - 1) * ROWS_MAIN, ROWS_TAIL)],
            out_hbm.at[c, pl.ds((NS - 1) * ROWS_MAIN, ROWS_TAIL)],
        )


def _make_scatter_stage(start_edge, n_edges):
    edges_per_core = n_edges // NC
    edges_per_sub = edges_per_core // NS
    num_chunks = edges_per_sub // CHUNK
    tail = edges_per_sub - num_chunks * CHUNK
    assert tail % 8 == 0 and tail <= CHUNK and start_edge % 8 == 0
    return pl.kernel(
        functools.partial(_scatter_body, start_edge, edges_per_core,
                          edges_per_sub, num_chunks, tail),
        out_type=jax.ShapeDtypeStruct((NC, NUM_NODES, HIDDEN), jnp.float32),
        mesh=plsc.VectorSubcoreMesh(core_axis_name="c", subcore_axis_name="s"),
        scratch_types=[
            pltpu.VMEM((CHUNK,), jnp.int32),
            pltpu.VMEM((CHUNK, HIDDEN), jnp.float32),
            pltpu.VMEM((CHUNK,), jnp.int32),
            pltpu.VMEM((CHUNK, HIDDEN), jnp.float32),
            pltpu.VMEM((CHUNK,), jnp.int32),
            pltpu.VMEM((CHUNK, HIDDEN), jnp.float32),
            pltpu.VMEM((tail,), jnp.int32),
            pltpu.SemaphoreType.DMA,
            pltpu.SemaphoreType.DMA,
            pltpu.SemaphoreType.DMA,
            pltpu.SemaphoreType.DMA,
            pltpu.SemaphoreType.DMA,
            pltpu.SemaphoreType.DMA,
            pltpu.VMEM_SHARED((NUM_NODES, HIDDEN), jnp.float32),
        ],
    )


_scatter_stage_a = _make_scatter_stage(0, EDGES_A)
_scatter_stage_b = _make_scatter_stage(EDGES_A, EDGES_B)


def _bdot(a, b):
    return lax.dot_general(
        a.astype(jnp.bfloat16), b.astype(jnp.bfloat16),
        (((1,), (1,)), ((), ())),
        preferred_element_type=jnp.float32,
    )


def _mlp_body(pa_ref, pb_ref, wup_ref, wl_ref, bl_ref, wout_ref, out_ref):
    xt = (pa_ref[0] + pa_ref[1]) + (pb_ref[0] + pb_ref[1])
    h = _bdot(xt, wup_ref[...])
    for l in range(wl_ref.shape[0]):
        z = _bdot(h, wl_ref[l]) + bl_ref[l][None, :]
        h = z * jax.nn.sigmoid(z)
    out_ref[...] = lax.dot_general(
        h, wout_ref[...], (((1,), (1,)), ((), ())),
        preferred_element_type=jnp.float32,
    )


def _mlp_stage(parts_a, parts_b, w_up, w_layers, b_layers, w_out):
    grid = (NUM_NODES // NODE_BLOCK,)
    return pl.pallas_call(
        _mlp_body,
        grid=grid,
        in_specs=[
            pl.BlockSpec((NC, NODE_BLOCK, HIDDEN), lambda j: (0, j, 0)),
            pl.BlockSpec((NC, NODE_BLOCK, HIDDEN), lambda j: (0, j, 0)),
            pl.BlockSpec(w_up.shape, lambda j: (0, 0)),
            pl.BlockSpec(w_layers.shape, lambda j: (0, 0, 0)),
            pl.BlockSpec(b_layers.shape, lambda j: (0, 0)),
            pl.BlockSpec(w_out.shape, lambda j: (0, 0)),
        ],
        out_specs=pl.BlockSpec((NODE_BLOCK, w_out.shape[0]), lambda j: (j, 0)),
        out_shape=jax.ShapeDtypeStruct((NUM_NODES, w_out.shape[0]), jnp.float32),
    )(parts_a, parts_b, w_up, w_layers, b_layers, w_out)


def kernel(x, rbf, i, num_nodes, W_rbfs, W_up, W_layers, b_layers, W_out):
    wt = jnp.transpose(W_rbfs[-1])
    zeros = jnp.zeros((NUM_NODES, HIDDEN), jnp.float32)
    rbft = jnp.transpose(rbf)
    t_a = _edge_stage(rbft, x, wt, 0, EDGES_A)
    parts_a = _scatter_stage_a(t_a, i, zeros)
    t_b = _edge_stage(rbft, x, wt, EDGES_A, EDGES_B)
    parts_b = _scatter_stage_b(t_b, i, zeros)
    return _mlp_stage(parts_a, parts_b, W_up, W_layers, b_layers, W_out)

# --- scband reference (transcript-rebuilt; emitter-appended) ---
"""Pipeline reference for scband-output-ppblock-smp-32384053412130 (READ-ONLY COPY).

The authoritative reference and input builder live on the scoring server;
editing this copy changes nothing except your own understanding.
"""

import jax, jax.numpy as jnp
import numpy as np

NUM_NODES = 10000
NUM_EDGES = 320000
NUM_RADIAL = 6
HIDDEN = 128
OUT_EMB = 256
OUT_CH = 1
NUM_LAYERS = 3
NUM_RBF_LINS = 6  # num_BT + 1 with num_BT=5


def setup_inputs(seed: int = 0) -> dict:
    key = jax.random.key(seed)
    ks = jax.random.split(key, 10)
    x = jax.random.normal(ks[0], (NUM_EDGES, HIDDEN), dtype=jnp.float32)
    rbf = jax.random.normal(ks[1], (NUM_EDGES, NUM_RADIAL), dtype=jnp.float32)
    i = jax.random.randint(ks[2], (NUM_EDGES,), 0, NUM_NODES, dtype=jnp.int32)
    # learned parameters (torch Linear stores weight as [out_features, in_features])
    W_rbfs = jax.random.normal(ks[3], (NUM_RBF_LINS, HIDDEN, NUM_RADIAL), dtype=jnp.float32) * 0.1
    W_up = jax.random.normal(ks[4], (OUT_EMB, HIDDEN), dtype=jnp.float32) * 0.1
    W_layers = jax.random.normal(ks[5], (NUM_LAYERS, OUT_EMB, OUT_EMB), dtype=jnp.float32) * 0.05
    b_layers = jnp.zeros((NUM_LAYERS, OUT_EMB), dtype=jnp.float32)
    W_out = jax.random.normal(ks[6], (OUT_CH, OUT_EMB), dtype=jnp.float32) * 0.05
    return {"x": x, "rbf": rbf, "i": i, "num_nodes": NUM_NODES,
            "W_rbfs": W_rbfs, "W_up": W_up, "W_layers": W_layers,
            "b_layers": b_layers, "W_out": W_out}


def reference(x, rbf, i, num_nodes, W_rbfs, W_up, W_layers, b_layers, W_out):
    # bt is None -> alpha=1.0 path; all lin_rbfs applied (faithful), only last used
    x_spe = [(rbf @ W_rbfs[k].T) * x for k in range(W_rbfs.shape[0])]
    # alpha * scatter(x_spe[-1], i, dim=0, dim_size=num_nodes, reduce='sum')
    x_tot = jax.ops.segment_sum(x_spe[-1], i, num_segments=NUM_NODES)
    x_tot = x_tot + (jnp.asarray(num_nodes) - NUM_NODES).astype(x_tot.dtype)
    # num_aux = 0 -> single output head
    h = x_tot @ W_up.T
    for l in range(W_layers.shape[0]):
        h = jax.nn.silu(h @ W_layers[l].T + b_layers[l])
    out = h @ W_out.T
    # original returns a list of length num_aux+1 = 1; return the single array
    return out

if __name__ == "__main__":
    import jax
    _d = setup_inputs()
    print(jax.jit(kernel)(*tuple(_d.values())))

</pallas_src>

<mosaic_0001>
#map = affine_map<(d0, d1) -> (0, 0)>
#map1 = affine_map<(d0, d1) -> (0)>
#map2 = affine_map<(d0, d1) -> (0, 0, 0)>
module attributes {stable_mosaic.version = 14 : i64} {
  func.func @_scatter_body(%arg0: i32, %arg1: i32, %arg2: memref<160000x128xf32, #tpu.memory_space<hbm>>, %arg3: memref<320000xi32, #tpu.memory_space<hbm>>, %arg4: memref<10000x128xf32, #tpu.memory_space<hbm>>, %arg5: memref<2x10000x128xf32, #tpu.memory_space<hbm>>, %arg6: memref<128xi32, #tpu.memory_space<vmem>>, %arg7: memref<128x128xf32, #tpu.memory_space<vmem>>, %arg8: memref<128xi32, #tpu.memory_space<vmem>>, %arg9: memref<128x128xf32, #tpu.memory_space<vmem>>, %arg10: memref<128xi32, #tpu.memory_space<vmem>>, %arg11: memref<128x128xf32, #tpu.memory_space<vmem>>, %arg12: memref<8xi32, #tpu.memory_space<vmem>>, %arg13: memref<!tpu.dma_semaphore, #tpu.memory_space<semaphore_mem>>, %arg14: memref<!tpu.dma_semaphore, #tpu.memory_space<semaphore_mem>>, %arg15: memref<!tpu.dma_semaphore, #tpu.memory_space<semaphore_mem>>, %arg16: memref<!tpu.dma_semaphore, #tpu.memory_space<semaphore_mem>>, %arg17: memref<!tpu.dma_semaphore, #tpu.memory_space<semaphore_mem>>, %arg18: memref<!tpu.dma_semaphore, #tpu.memory_space<semaphore_mem>>, %arg19: memref<10000x128xf32, #tpu.memory_space<vmem_shared>>) attributes {dimension_semantics = [#tpu.dimension_semantics<core_parallel>, #tpu.dimension_semantics<subcore_parallel>], iteration_bounds = array<i64: 2, 16>, scalar_prefetch = 0 : i64, scratch_operands = 14 : i64, tpu.core_type = #tpu.core_type<sc_vector_subcore>, window_params = [{transform_indices = #map}, {transform_indices = #map1}, {transform_indices = #map}, {transform_indices = #map2}]} {
    %lt3A = arith.constant 15 : i32
    %lt3A_0 = arith.cmpi slt, %arg1, %lt3A : i32
    %convert_element_type3A = arith.extui %lt3A_0 : i1 to i32
    %cond3A = arith.constant 0 : i32
    %cond3A_1 = arith.cmpi ne, %convert_element_type3A, %cond3A : i32
    scf.if %cond3A_1 {
      %mul3A_49 = arith.constant 640 : i32
      %mul3A_50 = arith.muli %arg1, %mul3A_49 : i32
      %mul3A_51 = arith.constant 640 : i32
      %mul3A_52 = arith.muli %arg1, %mul3A_51 : i32
      "tpu.region"() ({
        %run_scoped3A = tpu.sem_alloc : memref<!tpu.dma_semaphore, #tpu.memory_space<semaphore_mem>>
        %dma_start3A_53 = arith.constant 0 : i32
        %dma_start3A_54 = tpu.memref_slice %arg19[%mul3A_52, %dma_start3A_53] : memref<10000x128xf32, #tpu.memory_space<vmem_shared>> -> memref<640x128xf32, #tpu.memory_space<vmem_shared>>
        %dma_start3A_55 = arith.constant 0 : i32
        %dma_start3A_56 = tpu.memref_slice %arg4[%mul3A_50, %dma_start3A_55] : memref<10000x128xf32, #tpu.memory_space<hbm>> -> memref<640x128xf32, #tpu.memory_space<hbm>>
        tpu.enqueue_dma source(%dma_start3A_56 : memref<640x128xf32, #tpu.memory_space<hbm>>) target(%dma_start3A_54 : memref<640x128xf32, #tpu.memory_space<vmem_shared>>) target_semaphore(%run_scoped3A : memref<!tpu.dma_semaphore, #tpu.memory_space<semaphore_mem>>)
        %dma_wait3A = arith.constant 0 : i32
        %dma_wait3A_57 = tpu.memref_slice %arg19[%mul3A_52, %dma_wait3A] : memref<10000x128xf32, #tpu.memory_space<vmem_shared>> -> memref<640x128xf32, #tpu.memory_space<vmem_shared>>
        %dma_wait3A_58 = arith.constant 0 : i32
        %dma_wait3A_59 = tpu.memref_slice %arg4[%mul3A_50, %dma_wait3A_58] : memref<10000x128xf32, #tpu.memory_space<hbm>> -> memref<640x128xf32, #tpu.memory_space<hbm>>
        tpu.wait_dma2 semaphore(%run_scoped3A : memref<!tpu.dma_semaphore, #tpu.memory_space<semaphore_mem>>) src(%dma_wait3A_59 : memref<640x128xf32, #tpu.memory_space<hbm>>) dst(%dma_wait3A_57 : memref<640x128xf32, #tpu.memory_space<vmem_shared>>)
        tpu.yield
      }) : () -> ()
    } else {
    }
    %eq3A = arith.constant 15 : i32
    %eq3A_2 = arith.cmpi eq, %arg1, %eq3A : i32
    %convert_element_type3A_3 = arith.extui %eq3A_2 : i1 to i32
    %cond3A_4 = arith.constant 0 : i32
    %cond3A_5 = arith.cmpi ne, %convert_element_type3A_3, %cond3A_4 : i32
    scf.if %cond3A_5 {
      "tpu.region"() ({
        %run_scoped3A = tpu.sem_alloc : memref<!tpu.dma_semaphore, #tpu.memory_space<semaphore_mem>>
        %dma_start3A_49 = arith.constant 9600 : i32
        %dma_start3A_50 = arith.constant 0 : i32
        %dma_start3A_51 = tpu.memref_slice %arg19[%dma_start3A_49, %dma_start3A_50] : memref<10000x128xf32, #tpu.memory_space<vmem_shared>> -> memref<400x128xf32, #tpu.memory_space<vmem_shared>>
        %dma_start3A_52 = arith.constant 9600 : i32
        %dma_start3A_53 = arith.constant 0 : i32
        %dma_start3A_54 = tpu.memref_slice %arg4[%dma_start3A_52, %dma_start3A_53] : memref<10000x128xf32, #tpu.memory_space<hbm>> -> memref<400x128xf32, #tpu.memory_space<hbm>>
        tpu.enqueue_dma source(%dma_start3A_54 : memref<400x128xf32, #tpu.memory_space<hbm>>) target(%dma_start3A_51 : memref<400x128xf32, #tpu.memory_space<vmem_shared>>) target_semaphore(%run_scoped3A : memref<!tpu.dma_semaphore, #tpu.memory_space<semaphore_mem>>)
        %dma_wait3A = arith.constant 9600 : i32
        %dma_wait3A_55 = arith.constant 0 : i32
        %dma_wait3A_56 = tpu.memref_slice %arg19[%dma_wait3A, %dma_wait3A_55] : memref<10000x128xf32, #tpu.memory_space<vmem_shared>> -> memref<400x128xf32, #tpu.memory_space<vmem_shared>>
        %dma_wait3A_57 = arith.constant 9600 : i32
        %dma_wait3A_58 = arith.constant 0 : i32
        %dma_wait3A_59 = tpu.memref_slice %arg4[%dma_wait3A_57, %dma_wait3A_58] : memref<10000x128xf32, #tpu.memory_space<hbm>> -> memref<400x128xf32, #tpu.memory_space<hbm>>
        tpu.wait_dma2 semaphore(%run_scoped3A : memref<!tpu.dma_semaphore, #tpu.memory_space<semaphore_mem>>) src(%dma_wait3A_59 : memref<400x128xf32, #tpu.memory_space<hbm>>) dst(%dma_wait3A_56 : memref<400x128xf32, #tpu.memory_space<vmem_shared>>)
        tpu.yield
      }) : () -> ()
    } else {
    }
    %barrier3A = arith.constant 0 : index
    tpu.barrier barrier_id(%barrier3A)
    %mul3A = arith.constant 80000 : i32
    %mul3A_6 = arith.muli %arg0, %mul3A : i32
    %mul3A_7 = arith.constant 5000 : i32
    %mul3A_8 = arith.muli %arg1, %mul3A_7 : i32
    %add3A = arith.addi %mul3A_6, %mul3A_8 : i32
    %add3A_9 = arith.constant 0 : i32
    %add3A_10 = arith.addi %add3A_9, %add3A : i32
    "tpu.region"() ({
      %run_scoped3A = tpu.sem_alloc : memref<!tpu.dma_semaphore, #tpu.memory_space<semaphore_mem>>
      %dma_start3A_49 = tpu.memref_slice %arg3[%add3A_10] : memref<320000xi32, #tpu.memory_space<hbm>> -> memref<8xi32, #tpu.memory_space<hbm>>
      %dma_start3A_50 = tpu.memref_slice %arg3[%add3A_10] : memref<320000xi32, #tpu.memory_space<hbm>> -> memref<8xi32, #tpu.memory_space<hbm>>
      tpu.enqueue_dma source(%dma_start3A_50 : memref<8xi32, #tpu.memory_space<hbm>>) target(%arg12 : memref<8xi32, #tpu.memory_space<vmem>>) target_semaphore(%run_scoped3A : memref<!tpu.dma_semaphore, #tpu.memory_space<semaphore_mem>>)
      %dma_wait3A = tpu.memref_slice %arg3[%add3A_10] : memref<320000xi32, #tpu.memory_space<hbm>> -> memref<8xi32, #tpu.memory_space<hbm>>
      %dma_wait3A_51 = tpu.memref_slice %arg3[%add3A_10] : memref<320000xi32, #tpu.memory_space<hbm>> -> memref<8xi32, #tpu.memory_space<hbm>>
      tpu.wait_dma2 semaphore(%run_scoped3A : memref<!tpu.dma_semaphore, #tpu.memory_space<semaphore_mem>>) src(%dma_wait3A_51 : memref<8xi32, #tpu.memory_space<hbm>>) dst(%arg12 : memref<8xi32, #tpu.memory_space<vmem>>)
      tpu.yield
    }) : () -> ()
    "tpu.region"() ({
      %run_scoped3A = tpu.sem_alloc : memref<!tpu.dma_semaphore, #tpu.memory_space<semaphore_mem>>
      %dma_start3A_49 = arith.constant 0 : i32
      %dma_start3A_50 = arith.constant 0 : i32
      %dma_start3A_51 = tpu.memref_slice %arg7[%dma_start3A_49, %dma_start3A_50] : memref<128x128xf32, #tpu.memory_space<vmem>> -> memref<8x128xf32, #tpu.memory_space<vmem>>
      %dma_start3A_52 = arith.constant 0 : i32
      %dma_start3A_53 = tpu.memref_slice %arg2[%add3A, %dma_start3A_52] : memref<160000x128xf32, #tpu.memory_space<hbm>> -> memref<8x128xf32, #tpu.memory_space<hbm>>
      %dma_start3A_54 = arith.constant 0 : i32
      %dma_start3A_55 = arith.constant 0 : i32
      %dma_start3A_56 = tpu.memref_slice %arg7[%dma_start3A_54, %dma_start3A_55] : memref<128x128xf32, #tpu.memory_space<vmem>> -> memref<8x128xf32, #tpu.memory_space<vmem>>
      %dma_start3A_57 = arith.constant 0 : i32
      %dma_start3A_58 = tpu.memref_slice %arg2[%add3A, %dma_start3A_57] : memref<160000x128xf32, #tpu.memory_space<hbm>> -> memref<8x128xf32, #tpu.memory_space<hbm>>
      tpu.enqueue_dma source(%dma_start3A_58 : memref<8x128xf32, #tpu.memory_space<hbm>>) target(%dma_start3A_56 : memref<8x128xf32, #tpu.memory_space<vmem>>) target_semaphore(%run_scoped3A : memref<!tpu.dma_semaphore, #tpu.memory_space<semaphore_mem>>)
      %dma_wait3A = arith.constant 0 : i32
      %dma_wait3A_59 = arith.constant 0 : i32
      %dma_wait3A_60 = tpu.memref_slice %arg7[%dma_wait3A, %dma_wait3A_59] : memref<128x128xf32, #tpu.memory_space<vmem>> -> memref<8x128xf32, #tpu.memory_space<vmem>>
      %dma_wait3A_61 = arith.constant 0 : i32
      %dma_wait3A_62 = tpu.memref_slice %arg2[%add3A, %dma_wait3A_61] : memref<160000x128xf32, #tpu.memory_space<hbm>> -> memref<8x128xf32, #tpu.memory_space<hbm>>
      %dma_wait3A_63 = arith.constant 0 : i32
      %dma_wait3A_64 = arith.constant 0 : i32
      %dma_wait3A_65 = tpu.memref_slice %arg7[%dma_wait3A_63, %dma_wait3A_64] : memref<128x128xf32, #tpu.memory_space<vmem>> -> memref<8x128xf32, #tpu.memory_space<vmem>>
      %dma_wait3A_66 = arith.constant 0 : i32
      %dma_wait3A_67 = tpu.memref_slice %arg2[%add3A, %dma_wait3A_66] : memref<160000x128xf32, #tpu.memory_space<hbm>> -> memref<8x128xf32, #tpu.memory_space<hbm>>
      tpu.wait_dma2 semaphore(%run_scoped3A : memref<!tpu.dma_semaphore, #tpu.memory_space<semaphore_mem>>) src(%dma_wait3A_67 : memref<8x128xf32, #tpu.memory_space<hbm>>) dst(%dma_wait3A_65 : memref<8x128xf32, #tpu.memory_space<vmem>>)
      tpu.yield
    }) : () -> ()
    "tpu.region"() ({
      %run_scoped3A = tpu.sem_alloc : memref<!tpu.dma_semaphore, #tpu.memory_space<semaphore_mem>>
      %dma_start3A_49 = arith.constant 0 : i32
      %dma_start3A_50 = arith.constant 0 : i32
      %dma_start3A_51 = tpu.memref_slice %arg7[%dma_start3A_49, %dma_start3A_50] : memref<128x128xf32, #tpu.memory_space<vmem>> -> memref<8x128xf32, #tpu.memory_space<vmem>>
      %dma_start3A_52 = arith.constant 0 : i32
      %dma_start3A_53 = arith.constant 0 : i32
      %dma_start3A_54 = tpu.memref_slice %arg19[%dma_start3A_52, %dma_start3A_53] : memref<10000x128xf32, #tpu.memory_space<vmem_shared>> -> memref<10000x128xf32, #tpu.memory_space<vmem_shared>>
      tpu.enqueue_indirect_dma source(%dma_start3A_51 : memref<8x128xf32, #tpu.memory_space<vmem>>) target(%dma_start3A_54 : memref<10000x128xf32, #tpu.memory_space<vmem_shared>>) offsets(%arg12 : memref<8xi32, #tpu.memory_space<vmem>>) semaphore(%run_scoped3A : memref<!tpu.dma_semaphore, #tpu.memory_space<semaphore_mem>>) {add = true}
      %dma_wait3A = arith.constant 0 : i32
      %dma_wait3A_55 = arith.constant 0 : i32
      %dma_wait3A_56 = tpu.memref_slice %arg7[%dma_wait3A, %dma_wait3A_55] : memref<128x128xf32, #tpu.memory_space<vmem>> -> memref<8x128xf32, #tpu.memory_space<vmem>>
      %dma_wait3A_57 = arith.constant 0 : i32
      %dma_wait3A_58 = arith.constant 0 : i32
      %dma_wait3A_59 = tpu.memref_slice %arg19[%dma_wait3A_57, %dma_wait3A_58] : memref<10000x128xf32, #tpu.memory_space<vmem_shared>> -> memref<10000x128xf32, #tpu.memory_space<vmem_shared>>
      tpu.wait_indirect_dma semaphore(%run_scoped3A : memref<!tpu.dma_semaphore, #tpu.memory_space<semaphore_mem>>) src(%dma_wait3A_56 : memref<8x128xf32, #tpu.memory_space<vmem>>) dst(%dma_wait3A_59 : memref<10000x128xf32, #tpu.memory_space<vmem_shared>>)
      tpu.yield
    }) : () -> ()
    %add3A_11 = arith.constant 8 : i32
    %add3A_12 = arith.addi %add3A, %add3A_11 : i32
    %add3A_13 = arith.constant 0 : i32
    %add3A_14 = arith.addi %add3A_12, %add3A_13 : i32
    %add3A_15 = arith.constant 0 : i32
    %add3A_16 = arith.addi %add3A_15, %add3A_14 : i32
    %dma_start3A = tpu.memref_slice %arg3[%add3A_16] : memref<320000xi32, #tpu.memory_space<hbm>> -> memref<128xi32, #tpu.memory_space<hbm>>
    %dma_start3A_17 = tpu.memref_slice %arg3[%add3A_16] : memref<320000xi32, #tpu.memory_space<hbm>> -> memref<128xi32, #tpu.memory_space<hbm>>
    tpu.enqueue_dma source(%dma_start3A_17 : memref<128xi32, #tpu.memory_space<hbm>>) target(%arg6 : memref<128xi32, #tpu.memory_space<vmem>>) target_semaphore(%arg13 : memref<!tpu.dma_semaphore, #tpu.memory_space<semaphore_mem>>)
    %dma_start3A_18 = arith.constant 0 : i32
    %dma_start3A_19 = tpu.memref_slice %arg2[%add3A_14, %dma_start3A_18] : memref<160000x128xf32, #tpu.memory_space<hbm>> -> memref<128x128xf32, #tpu.memory_space<hbm>>
    %dma_start3A_20 = arith.constant 0 : i32
    %dma_start3A_21 = tpu.memref_slice %arg2[%add3A_14, %dma_start3A_20] : memref<160000x128xf32, #tpu.memory_space<hbm>> -> memref<128x128xf32, #tpu.memory_space<hbm>>
    tpu.enqueue_dma source(%dma_start3A_21 : memref<128x128xf32, #tpu.memory_space<hbm>>) target(%arg7 : memref<128x128xf32, #tpu.memory_space<vmem>>) target_semaphore(%arg14 : memref<!tpu.dma_semaphore, #tpu.memory_space<semaphore_mem>>)
    %add3A_22 = arith.constant 8 : i32
    %add3A_23 = arith.addi %add3A, %add3A_22 : i32
    %add3A_24 = arith.constant 128 : i32
    %add3A_25 = arith.addi %add3A_23, %add3A_24 : i32
    %add3A_26 = arith.constant 0 : i32
    %add3A_27 = arith.addi %add3A_26, %add3A_25 : i32
    %dma_start3A_28 = tpu.memref_slice %arg3[%add3A_27] : memref<320000xi32, #tpu.memory_space<hbm>> -> memref<128xi32, #tpu.memory_space<hbm>>
    %dma_start3A_29 = tpu.memref_slice %arg3[%add3A_27] : memref<320000xi32, #tpu.memory_space<hbm>> -> memref<128xi32, #tpu.memory_space<hbm>>
    tpu.enqueue_dma source(%dma_start3A_29 : memref<128xi32, #tpu.memory_space<hbm>>) target(%arg8 : memref<128xi32, #tpu.memory_space<vmem>>) target_semaphore(%arg15 : memref<!tpu.dma_semaphore, #tpu.memory_space<semaphore_mem>>)
    %dma_start3A_30 = arith.constant 0 : i32
    %dma_start3A_31 = tpu.memref_slice %arg2[%add3A_25, %dma_start3A_30] : memref<160000x128xf32, #tpu.memory_space<hbm>> -> memref<128x128xf32, #tpu.memory_space<hbm>>
    %dma_start3A_32 = arith.constant 0 : i32
    %dma_start3A_33 = tpu.memref_slice %arg2[%add3A_25, %dma_start3A_32] : memref<160000x128xf32, #tpu.memory_space<hbm>> -> memref<128x128xf32, #tpu.memory_space<hbm>>
    tpu.enqueue_dma source(%dma_start3A_33 : memref<128x128xf32, #tpu.memory_space<hbm>>) target(%arg9 : memref<128x128xf32, #tpu.memory_space<vmem>>) target_semaphore(%arg16 : memref<!tpu.dma_semaphore, #tpu.memory_space<semaphore_mem>>)
    %scan3A = arith.constant 0 : i32
    %scan3A_34 = arith.constant 13 : i32
    %scan3A_35 = arith.addi %scan3A, %scan3A_34 : i32
    %scan3A_36 = arith.constant 1 : i32
    scf.for %scan3A_49 = %scan3A to %scan3A_35 step %scan3A_36  : i32 {
      %mul3A_50 = arith.constant 3 : i32
      %mul3A_51 = arith.muli %mul3A_50, %scan3A_49 : i32
      %add3A_52 = arith.constant 0 : i32
      %add3A_53 = arith.addi %mul3A_51, %add3A_52 : i32
      %add3A_54 = arith.constant 8 : i32
      %add3A_55 = arith.addi %add3A, %add3A_54 : i32
      %mul3A_56 = arith.constant 128 : i32
      %mul3A_57 = arith.muli %add3A_53, %mul3A_56 : i32
      %add3A_58 = arith.addi %add3A_55, %mul3A_57 : i32
      %add3A_59 = arith.constant 0 : i32
      %add3A_60 = arith.addi %add3A_59, %add3A_58 : i32
      %dma_wait3A = tpu.memref_slice %arg3[%add3A_60] : memref<320000xi32, #tpu.memory_space<hbm>> -> memref<128xi32, #tpu.memory_space<hbm>>
      %dma_wait3A_61 = tpu.memref_slice %arg3[%add3A_60] : memref<320000xi32, #tpu.memory_space<hbm>> -> memref<128xi32, #tpu.memory_space<hbm>>
      tpu.wait_dma2 semaphore(%arg13 : memref<!tpu.dma_semaphore, #tpu.memory_space<semaphore_mem>>) src(%dma_wait3A_61 : memref<128xi32, #tpu.memory_space<hbm>>) dst(%arg6 : memref<128xi32, #tpu.memory_space<vmem>>)
      %dma_wait3A_62 = arith.constant 0 : i32
      %dma_wait3A_63 = tpu.memref_slice %arg2[%add3A_58, %dma_wait3A_62] : memref<160000x128xf32, #tpu.memory_space<hbm>> -> memref<128x128xf32, #tpu.memory_space<hbm>>
      %dma_wait3A_64 = arith.constant 0 : i32
      %dma_wait3A_65 = tpu.memref_slice %arg2[%add3A_58, %dma_wait3A_64] : memref<160000x128xf32, #tpu.memory_space<hbm>> -> memref<128x128xf32, #tpu.memory_space<hbm>>
      tpu.wait_dma2 semaphore(%arg14 : memref<!tpu.dma_semaphore, #tpu.memory_space<semaphore_mem>>) src(%dma_wait3A_65 : memref<128x128xf32, #tpu.memory_space<hbm>>) dst(%arg7 : memref<128x128xf32, #tpu.memory_space<vmem>>)
      %add3A_66 = arith.constant 2 : i32
      %add3A_67 = arith.addi %add3A_53, %add3A_66 : i32
      %lt3A_68 = arith.constant 39 : i32
      %lt3A_69 = arith.cmpi slt, %add3A_67, %lt3A_68 : i32
      %convert_element_type3A_70 = arith.extui %lt3A_69 : i1 to i32
      %cond3A_71 = arith.constant 0 : i32
      %cond3A_72 = arith.cmpi ne, %convert_element_type3A_70, %cond3A_71 : i32
      scf.if %cond3A_72 {
        %add3A_121 = arith.constant 2 : i32
        %add3A_122 = arith.addi %add3A_53, %add3A_121 : i32
        %add3A_123 = arith.constant 8 : i32
        %add3A_124 = arith.addi %add3A, %add3A_123 : i32
        %mul3A_125 = arith.constant 128 : i32
        %mul3A_126 = arith.muli %add3A_122, %mul3A_125 : i32
        %add3A_127 = arith.addi %add3A_124, %mul3A_126 : i32
        %add3A_128 = arith.constant 0 : i32
        %add3A_129 = arith.addi %add3A_128, %add3A_127 : i32
        %dma_start3A_130 = tpu.memref_slice %arg3[%add3A_129] : memref<320000xi32, #tpu.memory_space<hbm>> -> memref<128xi32, #tpu.memory_space<hbm>>
        %dma_start3A_131 = tpu.memref_slice %arg3[%add3A_129] : memref<320000xi32, #tpu.memory_space<hbm>> -> memref<128xi32, #tpu.memory_space<hbm>>
        tpu.enqueue_dma source(%dma_start3A_131 : memref<128xi32, #tpu.memory_space<hbm>>) target(%arg10 : memref<128xi32, #tpu.memory_space<vmem>>) target_semaphore(%arg17 : memref<!tpu.dma_semaphore, #tpu.memory_space<semaphore_mem>>)
        %dma_start3A_132 = arith.constant 0 : i32
        %dma_start3A_133 = tpu.memref_slice %arg2[%add3A_127, %dma_start3A_132] : memref<160000x128xf32, #tpu.memory_space<hbm>> -> memref<128x128xf32, #tpu.memory_space<hbm>>
        %dma_start3A_134 = arith.constant 0 : i32
        %dma_start3A_135 = tpu.memref_slice %arg2[%add3A_127, %dma_start3A_134] : memref<160000x128xf32, #tpu.memory_space<hbm>> -> memref<128x128xf32, #tpu.memory_space<hbm>>
        tpu.enqueue_dma source(%dma_start3A_135 : memref<128x128xf32, #tpu.memory_space<hbm>>) target(%arg11 : memref<128x128xf32, #tpu.memory_space<vmem>>) target_semaphore(%arg18 : memref<!tpu.dma_semaphore, #tpu.memory_space<semaphore_mem>>)
      } else {
      }
      "tpu.region"() ({
        %run_scoped3A = tpu.sem_alloc : memref<!tpu.dma_semaphore, #tpu.memory_space<semaphore_mem>>
        %dma_start3A_121 = arith.constant 0 : i32
        %dma_start3A_122 = arith.constant 0 : i32
        %dma_start3A_123 = tpu.memref_slice %arg19[%dma_start3A_121, %dma_start3A_122] : memref<10000x128xf32, #tpu.memory_space<vmem_shared>> -> memref<10000x128xf32, #tpu.memory_space<vmem_shared>>
        tpu.enqueue_indirect_dma source(%arg7 : memref<128x128xf32, #tpu.memory_space<vmem>>) target(%dma_start3A_123 : memref<10000x128xf32, #tpu.memory_space<vmem_shared>>) offsets(%arg6 : memref<128xi32, #tpu.memory_space<vmem>>) semaphore(%run_scoped3A : memref<!tpu.dma_semaphore, #tpu.memory_space<semaphore_mem>>) {add = true}
        %dma_wait3A_124 = arith.constant 0 : i32
        %dma_wait3A_125 = arith.constant 0 : i32
        %dma_wait3A_126 = tpu.memref_slice %arg19[%dma_wait3A_124, %dma_wait3A_125] : memref<10000x128xf32, #tpu.memory_space<vmem_shared>> -> memref<10000x128xf32, #tpu.memory_space<vmem_shared>>
        tpu.wait_indirect_dma semaphore(%run_scoped3A : memref<!tpu.dma_semaphore, #tpu.memory_space<semaphore_mem>>) src(%arg7 : memref<128x128xf32, #tpu.memory_space<vmem>>) dst(%dma_wait3A_126 : memref<10000x128xf32, #tpu.memory_space<vmem_shared>>)
        tpu.yield
      }) : () -> ()
      %mul3A_73 = arith.constant 3 : i32
      %mul3A_74 = arith.muli %mul3A_73, %scan3A_49 : i32
      %add3A_75 = arith.constant 1 : i32
      %add3A_76 = arith.addi %mul3A_74, %add3A_75 : i32
      %add3A_77 = arith.constant 8 : i32
      %add3A_78 = arith.addi %add3A, %add3A_77 : i32
      %mul3A_79 = arith.constant 128 : i32
      %mul3A_80 = arith.muli %add3A_76, %mul3A_79 : i32
      %add3A_81 = arith.addi %add3A_78, %mul3A_80 : i32
      %add3A_82 = arith.constant 0 : i32
      %add3A_83 = arith.addi %add3A_82, %add3A_81 : i32
      %dma_wait3A_84 = tpu.memref_slice %arg3[%add3A_83] : memref<320000xi32, #tpu.memory_space<hbm>> -> memref<128xi32, #tpu.memory_space<hbm>>
      %dma_wait3A_85 = tpu.memref_slice %arg3[%add3A_83] : memref<320000xi32, #tpu.memory_space<hbm>> -> memref<128xi32, #tpu.memory_space<hbm>>
      tpu.wait_dma2 semaphore(%arg15 : memref<!tpu.dma_semaphore, #tpu.memory_space<semaphore_mem>>) src(%dma_wait3A_85 : memref<128xi32, #tpu.memory_space<hbm>>) dst(%arg8 : memref<128xi32, #tpu.memory_space<vmem>>)
      %dma_wait3A_86 = arith.constant 0 : i32
      %dma_wait3A_87 = tpu.memref_slice %arg2[%add3A_81, %dma_wait3A_86] : memref<160000x128xf32, #tpu.memory_space<hbm>> -> memref<128x128xf32, #tpu.memory_space<hbm>>
      %dma_wait3A_88 = arith.constant 0 : i32
      %dma_wait3A_89 = tpu.memref_slice %arg2[%add3A_81, %dma_wait3A_88] : memref<160000x128xf32, #tpu.memory_space<hbm>> -> memref<128x128xf32, #tpu.memory_space<hbm>>
      tpu.wait_dma2 semaphore(%arg16 : memref<!tpu.dma_semaphore, #tpu.memory_space<semaphore_mem>>) src(%dma_wait3A_89 : memref<128x128xf32, #tpu.memory_space<hbm>>) dst(%arg9 : memref<128x128xf32, #tpu.memory_space<vmem>>)
      %add3A_90 = arith.constant 2 : i32
      %add3A_91 = arith.addi %add3A_76, %add3A_90 : i32
      %lt3A_92 = arith.constant 39 : i32
      %lt3A_93 = arith.cmpi slt, %add3A_91, %lt3A_92 : i32
      %convert_element_type3A_94 = arith.extui %lt3A_93 : i1 to i32
      %cond3A_95 = arith.constant 0 : i32
      %cond3A_96 = arith.cmpi ne, %convert_element_type3A_94, %cond3A_95 : i32
      scf.if %cond3A_96 {
        %add3A_121 = arith.constant 2 : i32
        %add3A_122 = arith.addi %add3A_76, %add3A_121 : i32
        %add3A_123 = arith.constant 8 : i32
        %add3A_124 = arith.addi %add3A, %add3A_123 : i32
        %mul3A_125 = arith.constant 128 : i32
        %mul3A_126 = arith.muli %add3A_122, %mul3A_125 : i32
        %add3A_127 = arith.addi %add3A_124, %mul3A_126 : i32
        %add3A_128 = arith.constant 0 : i32
        %add3A_129 = arith.addi %add3A_128, %add3A_127 : i32
        %dma_start3A_130 = tpu.memref_slice %arg3[%add3A_129] : memref<320000xi32, #tpu.memory_space<hbm>> -> memref<128xi32, #tpu.memory_space<hbm>>
        %dma_start3A_131 = tpu.memref_slice %arg3[%add3A_129] : memref<320000xi32, #tpu.memory_space<hbm>> -> memref<128xi32, #tpu.memory_space<hbm>>
        tpu.enqueue_dma source(%dma_start3A_131 : memref<128xi32, #tpu.memory_space<hbm>>) target(%arg6 : memref<128xi32, #tpu.memory_space<vmem>>) target_semaphore(%arg13 : memref<!tpu.dma_semaphore, #tpu.memory_space<semaphore_mem>>)
        %dma_start3A_132 = arith.constant 0 : i32
        %dma_start3A_133 = tpu.memref_slice %arg2[%add3A_127, %dma_start3A_132] : memref<160000x128xf32, #tpu.memory_space<hbm>> -> memref<128x128xf32, #tpu.memory_space<hbm>>
        %dma_start3A_134 = arith.constant 0 : i32
        %dma_start3A_135 = tpu.memref_slice %arg2[%add3A_127, %dma_start3A_134] : memref<160000x128xf32, #tpu.memory_space<hbm>> -> memref<128x128xf32, #tpu.memory_space<hbm>>
        tpu.enqueue_dma source(%dma_start3A_135 : memref<128x128xf32, #tpu.memory_space<hbm>>) target(%arg7 : memref<128x128xf32, #tpu.memory_space<vmem>>) target_semaphore(%arg14 : memref<!tpu.dma_semaphore, #tpu.memory_space<semaphore_mem>>)
      } else {
      }
      "tpu.region"() ({
        %run_scoped3A = tpu.sem_alloc : memref<!tpu.dma_semaphore, #tpu.memory_space<semaphore_mem>>
        %dma_start3A_121 = arith.constant 0 : i32
        %dma_start3A_122 = arith.constant 0 : i32
        %dma_start3A_123 = tpu.memref_slice %arg19[%dma_start3A_121, %dma_start3A_122] : memref<10000x128xf32, #tpu.memory_space<vmem_shared>> -> memref<10000x128xf32, #tpu.memory_space<vmem_shared>>
        tpu.enqueue_indirect_dma source(%arg9 : memref<128x128xf32, #tpu.memory_space<vmem>>) target(%dma_start3A_123 : memref<10000x128xf32, #tpu.memory_space<vmem_shared>>) offsets(%arg8 : memref<128xi32, #tpu.memory_space<vmem>>) semaphore(%run_scoped3A : memref<!tpu.dma_semaphore, #tpu.memory_space<semaphore_mem>>) {add = true}
        %dma_wait3A_124 = arith.constant 0 : i32
        %dma_wait3A_125 = arith.constant 0 : i32
        %dma_wait3A_126 = tpu.memref_slice %arg19[%dma_wait3A_124, %dma_wait3A_125] : memref<10000x128xf32, #tpu.memory_space<vmem_shared>> -> memref<10000x128xf32, #tpu.memory_space<vmem_shared>>
        tpu.wait_indirect_dma semaphore(%run_scoped3A : memref<!tpu.dma_semaphore, #tpu.memory_space<semaphore_mem>>) src(%arg9 : memref<128x128xf32, #tpu.memory_space<vmem>>) dst(%dma_wait3A_126 : memref<10000x128xf32, #tpu.memory_space<vmem_shared>>)
        tpu.yield
      }) : () -> ()
      %mul3A_97 = arith.constant 3 : i32
      %mul3A_98 = arith.muli %mul3A_97, %scan3A_49 : i32
      %add3A_99 = arith.constant 2 : i32
      %add3A_100 = arith.addi %mul3A_98, %add3A_99 : i32
      %add3A_101 = arith.constant 8 : i32
      %add3A_102 = arith.addi %add3A, %add3A_101 : i32
      %mul3A_103 = arith.constant 128 : i32
      %mul3A_104 = arith.muli %add3A_100, %mul3A_103 : i32
      %add3A_105 = arith.addi %add3A_102, %mul3A_104 : i32
      %add3A_106 = arith.constant 0 : i32
      %add3A_107 = arith.addi %add3A_106, %add3A_105 : i32
      %dma_wait3A_108 = tpu.memref_slice %arg3[%add3A_107] : memref<320000xi32, #tpu.memory_space<hbm>> -> memref<128xi32, #tpu.memory_space<hbm>>
      %dma_wait3A_109 = tpu.memref_slice %arg3[%add3A_107] : memref<320000xi32, #tpu.memory_space<hbm>> -> memref<128xi32, #tpu.memory_space<hbm>>
      tpu.wait_dma2 semaphore(%arg17 : memref<!tpu.dma_semaphore, #tpu.memory_space<semaphore_mem>>) src(%dma_wait3A_109 : memref<128xi32, #tpu.memory_space<hbm>>) dst(%arg10 : memref<128xi32, #tpu.memory_space<vmem>>)
      %dma_wait3A_110 = arith.constant 0 : i32
      %dma_wait3A_111 = tpu.memref_slice %arg2[%add3A_105, %dma_wait3A_110] : memref<160000x128xf32, #tpu.memory_space<hbm>> -> memref<128x128xf32, #tpu.memory_space<hbm>>
      %dma_wait3A_112 = arith.constant 0 : i32
      %dma_wait3A_113 = tpu.memref_slice %arg2[%add3A_105, %dma_wait3A_112] : memref<160000x128xf32, #tpu.memory_space<hbm>> -> memref<128x128xf32, #tpu.memory_space<hbm>>
      tpu.wait_dma2 semaphore(%arg18 : memref<!tpu.dma_semaphore, #tpu.memory_space<semaphore_mem>>) src(%dma_wait3A_113 : memref<128x128xf32, #tpu.memory_space<hbm>>) dst(%arg11 : memref<128x128xf32, #tpu.memory_space<vmem>>)
      %add3A_114 = arith.constant 2 : i32
      %add3A_115 = arith.addi %add3A_100, %add3A_114 : i32
      %lt3A_116 = arith.constant 39 : i32
      %lt3A_117 = arith.cmpi slt, %add3A_115, %lt3A_116 : i32
      %convert_element_type3A_118 = arith.extui %lt3A_117 : i1 to i32
      %cond3A_119 = arith.constant 0 : i32
      %cond3A_120 = arith.cmpi ne, %convert_element_type3A_118, %cond3A_119 : i32
      scf.if %cond3A_120 {
        %add3A_121 = arith.constant 2 : i32
        %add3A_122 = arith.addi %add3A_100, %add3A_121 : i32
        %add3A_123 = arith.constant 8 : i32
        %add3A_124 = arith.addi %add3A, %add3A_123 : i32
        %mul3A_125 = arith.constant 128 : i32
        %mul3A_126 = arith.muli %add3A_122, %mul3A_125 : i32
        %add3A_127 = arith.addi %add3A_124, %mul3A_126 : i32
        %add3A_128 = arith.constant 0 : i32
        %add3A_129 = arith.addi %add3A_128, %add3A_127 : i32
        %dma_start3A_130 = tpu.memref_slice %arg3[%add3A_129] : memref<320000xi32, #tpu.memory_space<hbm>> -> memref<128xi32, #tpu.memory_space<hbm>>
        %dma_start3A_131 = tpu.memref_slice %arg3[%add3A_129] : memref<320000xi32, #tpu.memory_space<hbm>> -> memref<128xi32, #tpu.memory_space<hbm>>
        tpu.enqueue_dma source(%dma_start3A_131 : memref<128xi32, #tpu.memory_space<hbm>>) target(%arg8 : memref<128xi32, #tpu.memory_space<vmem>>) target_semaphore(%arg15 : memref<!tpu.dma_semaphore, #tpu.memory_space<semaphore_mem>>)
        %dma_start3A_132 = arith.constant 0 : i32
        %dma_start3A_133 = tpu.memref_slice %arg2[%add3A_127, %dma_start3A_132] : memref<160000x128xf32, #tpu.memory_space<hbm>> -> memref<128x128xf32, #tpu.memory_space<hbm>>
        %dma_start3A_134 = arith.constant 0 : i32
        %dma_start3A_135 = tpu.memref_slice %arg2[%add3A_127, %dma_start3A_134] : memref<160000x128xf32, #tpu.memory_space<hbm>> -> memref<128x128xf32, #tpu.memory_space<hbm>>
        tpu.enqueue_dma source(%dma_start3A_135 : memref<128x128xf32, #tpu.memory_space<hbm>>) target(%arg9 : memref<128x128xf32, #tpu.memory_space<vmem>>) target_semaphore(%arg16 : memref<!tpu.dma_semaphore, #tpu.memory_space<semaphore_mem>>)
      } else {
      }
      "tpu.region"() ({
        %run_scoped3A = tpu.sem_alloc : memref<!tpu.dma_semaphore, #tpu.memory_space<semaphore_mem>>
        %dma_start3A_121 = arith.constant 0 : i32
        %dma_start3A_122 = arith.constant 0 : i32
        %dma_start3A_123 = tpu.memref_slice %arg19[%dma_start3A_121, %dma_start3A_122] : memref<10000x128xf32, #tpu.memory_space<vmem_shared>> -> memref<10000x128xf32, #tpu.memory_space<vmem_shared>>
        tpu.enqueue_indirect_dma source(%arg11 : memref<128x128xf32, #tpu.memory_space<vmem>>) target(%dma_start3A_123 : memref<10000x128xf32, #tpu.memory_space<vmem_shared>>) offsets(%arg10 : memref<128xi32, #tpu.memory_space<vmem>>) semaphore(%run_scoped3A : memref<!tpu.dma_semaphore, #tpu.memory_space<semaphore_mem>>) {add = true}
        %dma_wait3A_124 = arith.constant 0 : i32
        %dma_wait3A_125 = arith.constant 0 : i32
        %dma_wait3A_126 = tpu.memref_slice %arg19[%dma_wait3A_124, %dma_wait3A_125] : memref<10000x128xf32, #tpu.memory_space<vmem_shared>> -> memref<10000x128xf32, #tpu.memory_space<vmem_shared>>
        tpu.wait_indirect_dma semaphore(%run_scoped3A : memref<!tpu.dma_semaphore, #tpu.memory_space<semaphore_mem>>) src(%arg11 : memref<128x128xf32, #tpu.memory_space<vmem>>) dst(%dma_wait3A_126 : memref<10000x128xf32, #tpu.memory_space<vmem_shared>>)
        tpu.yield
      }) : () -> ()
    }
    %scan3A_37 = arith.constant 13 : i32
    %barrier3A_38 = arith.constant 0 : index
    tpu.barrier barrier_id(%barrier3A_38)
    %lt3A_39 = arith.constant 15 : i32
    %lt3A_40 = arith.cmpi slt, %arg1, %lt3A_39 : i32
    %convert_element_type3A_41 = arith.extui %lt3A_40 : i1 to i32
    %cond3A_42 = arith.constant 0 : i32
    %cond3A_43 = arith.cmpi ne, %convert_element_type3A_41, %cond3A_42 : i32
    scf.if %cond3A_43 {
      %mul3A_49 = arith.constant 640 : i32
      %mul3A_50 = arith.muli %arg1, %mul3A_49 : i32
      %mul3A_51 = arith.constant 640 : i32
      %mul3A_52 = arith.muli %arg1, %mul3A_51 : i32
      "tpu.region"() ({
        %run_scoped3A = tpu.sem_alloc : memref<!tpu.dma_semaphore, #tpu.memory_space<semaphore_mem>>
        %dma_start3A_53 = arith.constant 0 : i32
        %dma_start3A_54 = tpu.memref_slice %arg5[%arg0, %mul3A_52, %dma_start3A_53] : memref<2x10000x128xf32, #tpu.memory_space<hbm>> -> memref<1x640x128xf32, #tpu.memory_space<hbm>>
        %dma_start3A_55 = tpu.memref_squeeze %dma_start3A_54 : memref<1x640x128xf32, #tpu.memory_space<hbm>> -> memref<640x128xf32, #tpu.memory_space<hbm>>
        %dma_start3A_56 = arith.constant 0 : i32
        %dma_start3A_57 = tpu.memref_slice %arg19[%mul3A_50, %dma_start3A_56] : memref<10000x128xf32, #tpu.memory_space<vmem_shared>> -> memref<640x128xf32, #tpu.memory_space<vmem_shared>>
        tpu.enqueue_dma source(%dma_start3A_57 : memref<640x128xf32, #tpu.memory_space<vmem_shared>>) target(%dma_start3A_55 : memref<640x128xf32, #tpu.memory_space<hbm>>) target_semaphore(%run_scoped3A : memref<!tpu.dma_semaphore, #tpu.memory_space<semaphore_mem>>)
        %dma_wait3A = arith.constant 0 : i32
        %dma_wait3A_58 = tpu.memref_slice %arg5[%arg0, %mul3A_52, %dma_wait3A] : memref<2x10000x128xf32, #tpu.memory_space<hbm>> -> memref<1x640x128xf32, #tpu.memory_space<hbm>>
        %dma_wait3A_59 = tpu.memref_squeeze %dma_wait3A_58 : memref<1x640x128xf32, #tpu.memory_space<hbm>> -> memref<640x128xf32, #tpu.memory_space<hbm>>
        %dma_wait3A_60 = arith.constant 0 : i32
        %dma_wait3A_61 = tpu.memref_slice %arg19[%mul3A_50, %dma_wait3A_60] : memref<10000x128xf32, #tpu.memory_space<vmem_shared>> -> memref<640x128xf32, #tpu.memory_space<vmem_shared>>
        tpu.wait_dma2 semaphore(%run_scoped3A : memref<!tpu.dma_semaphore, #tpu.memory_space<semaphore_mem>>) src(%dma_wait3A_61 : memref<640x128xf32, #tpu.memory_space<vmem_shared>>) dst(%dma_wait3A_59 : memref<640x128xf32, #tpu.memory_space<hbm>>)
        tpu.yield
      }) : () -> ()
    } else {
    }
    %eq3A_44 = arith.constant 15 : i32
    %eq3A_45 = arith.cmpi eq, %arg1, %eq3A_44 : i32
    %convert_element_type3A_46 = arith.extui %eq3A_45 : i1 to i32
    %cond3A_47 = arith.constant 0 : i32
    %cond3A_48 = arith.cmpi ne, %convert_element_type3A_46, %cond3A_47 : i32
    scf.if %cond3A_48 {
      "tpu.region"() ({
        %run_scoped3A = tpu.sem_alloc : memref<!tpu.dma_semaphore, #tpu.memory_space<semaphore_mem>>
        %dma_start3A_49 = arith.constant 9600 : i32
        %dma_start3A_50 = arith.constant 0 : i32
        %dma_start3A_51 = tpu.memref_slice %arg5[%arg0, %dma_start3A_49, %dma_start3A_50] : memref<2x10000x128xf32, #tpu.memory_space<hbm>> -> memref<1x400x128xf32, #tpu.memory_space<hbm>>
        %dma_start3A_52 = tpu.memref_squeeze %dma_start3A_51 : memref<1x400x128xf32, #tpu.memory_space<hbm>> -> memref<400x128xf32, #tpu.memory_space<hbm>>
        %dma_start3A_53 = arith.constant 9600 : i32
        %dma_start3A_54 = arith.constant 0 : i32
        %dma_start3A_55 = tpu.memref_slice %arg19[%dma_start3A_53, %dma_start3A_54] : memref<10000x128xf32, #tpu.memory_space<vmem_shared>> -> memref<400x128xf32, #tpu.memory_space<vmem_shared>>
        tpu.enqueue_dma source(%dma_start3A_55 : memref<400x128xf32, #tpu.memory_space<vmem_shared>>) target(%dma_start3A_52 : memref<400x128xf32, #tpu.memory_space<hbm>>) target_semaphore(%run_scoped3A : memref<!tpu.dma_semaphore, #tpu.memory_space<semaphore_mem>>)
        %dma_wait3A = arith.constant 9600 : i32
        %dma_wait3A_56 = arith.constant 0 : i32
        %dma_wait3A_57 = tpu.memref_slice %arg5[%arg0, %dma_wait3A, %dma_wait3A_56] : memref<2x10000x128xf32, #tpu.memory_space<hbm>> -> memref<1x400x128xf32, #tpu.memory_space<hbm>>
        %dma_wait3A_58 = tpu.memref_squeeze %dma_wait3A_57 : memref<1x400x128xf32, #tpu.memory_space<hbm>> -> memref<400x128xf32, #tpu.memory_space<hbm>>
        %dma_wait3A_59 = arith.constant 9600 : i32
        %dma_wait3A_60 = arith.constant 0 : i32
        %dma_wait3A_61 = tpu.memref_slice %arg19[%dma_wait3A_59, %dma_wait3A_60] : memref<10000x128xf32, #tpu.memory_space<vmem_shared>> -> memref<400x128xf32, #tpu.memory_space<vmem_shared>>
        tpu.wait_dma2 semaphore(%run_scoped3A : memref<!tpu.dma_semaphore, #tpu.memory_space<semaphore_mem>>) src(%dma_wait3A_61 : memref<400x128xf32, #tpu.memory_space<vmem_shared>>) dst(%dma_wait3A_58 : memref<400x128xf32, #tpu.memory_space<hbm>>)
        tpu.yield
      }) : () -> ()
    } else {
    }
    return
  }
}

#map = affine_map<(d0, d1) -> (0, 0)>
#map1 = affine_map<(d0, d1) -> (0)>
#map2 = affine_map<(d0, d1) -> (0, 0, 0)>
module attributes {stable_mosaic.version = 14 : i64} {
  func.func @_scatter_body(%arg0: i32, %arg1: i32, %arg2: memref<160000x128xf32, #tpu.memory_space<hbm>>, %arg3: memref<320000xi32, #tpu.memory_space<hbm>>, %arg4: memref<10000x128xf32, #tpu.memory_space<hbm>>, %arg5: memref<2x10000x128xf32, #tpu.memory_space<hbm>>, %arg6: memref<128xi32, #tpu.memory_space<vmem>>, %arg7: memref<128x128xf32, #tpu.memory_space<vmem>>, %arg8: memref<128xi32, #tpu.memory_space<vmem>>, %arg9: memref<128x128xf32, #tpu.memory_space<vmem>>, %arg10: memref<128xi32, #tpu.memory_space<vmem>>, %arg11: memref<128x128xf32, #tpu.memory_space<vmem>>, %arg12: memref<8xi32, #tpu.memory_space<vmem>>, %arg13: memref<!tpu.dma_semaphore, #tpu.memory_space<semaphore_mem>>, %arg14: memref<!tpu.dma_semaphore, #tpu.memory_space<semaphore_mem>>, %arg15: memref<!tpu.dma_semaphore, #tpu.memory_space<semaphore_mem>>, %arg16: memref<!tpu.dma_semaphore, #tpu.memory_space<semaphore_mem>>, %arg17: memref<!tpu.dma_semaphore, #tpu.memory_space<semaphore_mem>>, %arg18: memref<!tpu.dma_semaphore, #tpu.memory_space<semaphore_mem>>, %arg19: memref<10000x128xf32, #tpu.memory_space<vmem_shared>>) attributes {dimension_semantics = [#tpu.dimension_semantics<core_parallel>, #tpu.dimension_semantics<subcore_parallel>], iteration_bounds = array<i64: 2, 16>, scalar_prefetch = 0 : i64, scratch_operands = 14 : i64, tpu.core_type = #tpu.core_type<sc_vector_subcore>, window_params = [{transform_indices = #map}, {transform_indices = #map1}, {transform_indices = #map}, {transform_indices = #map2}]} {
    %lt3A = arith.constant 15 : i32
    %lt3A_0 = arith.cmpi slt, %arg1, %lt3A : i32
    %convert_element_type3A = arith.extui %lt3A_0 : i1 to i32
    %cond3A = arith.constant 0 : i32
    %cond3A_1 = arith.cmpi ne, %convert_element_type3A, %cond3A : i32
    scf.if %cond3A_1 {
      %mul3A_49 = arith.constant 640 : i32
      %mul3A_50 = arith.muli %arg1, %mul3A_49 : i32
      %mul3A_51 = arith.constant 640 : i32
      %mul3A_52 = arith.muli %arg1, %mul3A_51 : i32
      "tpu.region"() ({
        %run_scoped3A = tpu.sem_alloc : memref<!tpu.dma_semaphore, #tpu.memory_space<semaphore_mem>>
        %dma_start3A_53 = arith.constant 0 : i32
        %dma_start3A_54 = tpu.memref_slice %arg19[%mul3A_52, %dma_start3A_53] : memref<10000x128xf32, #tpu.memory_space<vmem_shared>> -> memref<640x128xf32, #tpu.memory_space<vmem_shared>>
        %dma_start3A_55 = arith.constant 0 : i32
        %dma_start3A_56 = tpu.memref_slice %arg4[%mul3A_50, %dma_start3A_55] : memref<10000x128xf32, #tpu.memory_space<hbm>> -> memref<640x128xf32, #tpu.memory_space<hbm>>
        tpu.enqueue_dma source(%dma_start3A_56 : memref<640x128xf32, #tpu.memory_space<hbm>>) target(%dma_start3A_54 : memref<640x128xf32, #tpu.memory_space<vmem_shared>>) target_semaphore(%run_scoped3A : memref<!tpu.dma_semaphore, #tpu.memory_space<semaphore_mem>>)
        %dma_wait3A = arith.constant 0 : i32
        %dma_wait3A_57 = tpu.memref_slice %arg19[%mul3A_52, %dma_wait3A] : memref<10000x128xf32, #tpu.memory_space<vmem_shared>> -> memref<640x128xf32, #tpu.memory_space<vmem_shared>>
        %dma_wait3A_58 = arith.constant 0 : i32
        %dma_wait3A_59 = tpu.memref_slice %arg4[%mul3A_50, %dma_wait3A_58] : memref<10000x128xf32, #tpu.memory_space<hbm>> -> memref<640x128xf32, #tpu.memory_space<hbm>>
        tpu.wait_dma2 semaphore(%run_scoped3A : memref<!tpu.dma_semaphore, #tpu.memory_space<semaphore_mem>>) src(%dma_wait3A_59 : memref<640x128xf32, #tpu.memory_space<hbm>>) dst(%dma_wait3A_57 : memref<640x128xf32, #tpu.memory_space<vmem_shared>>)
        tpu.yield
      }) : () -> ()
    } else {
    }
    %eq3A = arith.constant 15 : i32
    %eq3A_2 = arith.cmpi eq, %arg1, %eq3A : i32
    %convert_element_type3A_3 = arith.extui %eq3A_2 : i1 to i32
    %cond3A_4 = arith.constant 0 : i32
    %cond3A_5 = arith.cmpi ne, %convert_element_type3A_3, %cond3A_4 : i32
    scf.if %cond3A_5 {
      "tpu.region"() ({
        %run_scoped3A = tpu.sem_alloc : memref<!tpu.dma_semaphore, #tpu.memory_space<semaphore_mem>>
        %dma_start3A_49 = arith.constant 9600 : i32
        %dma_start3A_50 = arith.constant 0 : i32
        %dma_start3A_51 = tpu.memref_slice %arg19[%dma_start3A_49, %dma_start3A_50] : memref<10000x128xf32, #tpu.memory_space<vmem_shared>> -> memref<400x128xf32, #tpu.memory_space<vmem_shared>>
        %dma_start3A_52 = arith.constant 9600 : i32
        %dma_start3A_53 = arith.constant 0 : i32
        %dma_start3A_54 = tpu.memref_slice %arg4[%dma_start3A_52, %dma_start3A_53] : memref<10000x128xf32, #tpu.memory_space<hbm>> -> memref<400x128xf32, #tpu.memory_space<hbm>>
        tpu.enqueue_dma source(%dma_start3A_54 : memref<400x128xf32, #tpu.memory_space<hbm>>) target(%dma_start3A_51 : memref<400x128xf32, #tpu.memory_space<vmem_shared>>) target_semaphore(%run_scoped3A : memref<!tpu.dma_semaphore, #tpu.memory_space<semaphore_mem>>)
        %dma_wait3A = arith.constant 9600 : i32
        %dma_wait3A_55 = arith.constant 0 : i32
        %dma_wait3A_56 = tpu.memref_slice %arg19[%dma_wait3A, %dma_wait3A_55] : memref<10000x128xf32, #tpu.memory_space<vmem_shared>> -> memref<400x128xf32, #tpu.memory_space<vmem_shared>>
        %dma_wait3A_57 = arith.constant 9600 : i32
        %dma_wait3A_58 = arith.constant 0 : i32
        %dma_wait3A_59 = tpu.memref_slice %arg4[%dma_wait3A_57, %dma_wait3A_58] : memref<10000x128xf32, #tpu.memory_space<hbm>> -> memref<400x128xf32, #tpu.memory_space<hbm>>
        tpu.wait_dma2 semaphore(%run_scoped3A : memref<!tpu.dma_semaphore, #tpu.memory_space<semaphore_mem>>) src(%dma_wait3A_59 : memref<400x128xf32, #tpu.memory_space<hbm>>) dst(%dma_wait3A_56 : memref<400x128xf32, #tpu.memory_space<vmem_shared>>)
        tpu.yield
      }) : () -> ()
    } else {
    }
    %barrier3A = arith.constant 0 : index
    tpu.barrier barrier_id(%barrier3A)
    %mul3A = arith.constant 80000 : i32
    %mul3A_6 = arith.muli %arg0, %mul3A : i32
    %mul3A_7 = arith.constant 5000 : i32
    %mul3A_8 = arith.muli %arg1, %mul3A_7 : i32
    %add3A = arith.addi %mul3A_6, %mul3A_8 : i32
    %add3A_9 = arith.constant 160000 : i32
    %add3A_10 = arith.addi %add3A_9, %add3A : i32
    "tpu.region"() ({
      %run_scoped3A = tpu.sem_alloc : memref<!tpu.dma_semaphore, #tpu.memory_space<semaphore_mem>>
      %dma_start3A_49 = tpu.memref_slice %arg3[%add3A_10] : memref<320000xi32, #tpu.memory_space<hbm>> -> memref<8xi32, #tpu.memory_space<hbm>>
      %dma_start3A_50 = tpu.memref_slice %arg3[%add3A_10] : memref<320000xi32, #tpu.memory_space<hbm>> -> memref<8xi32, #tpu.memory_space<hbm>>
      tpu.enqueue_dma source(%dma_start3A_50 : memref<8xi32, #tpu.memory_space<hbm>>) target(%arg12 : memref<8xi32, #tpu.memory_space<vmem>>) target_semaphore(%run_scoped3A : memref<!tpu.dma_semaphore, #tpu.memory_space<semaphore_mem>>)
      %dma_wait3A = tpu.memref_slice %arg3[%add3A_10] : memref<320000xi32, #tpu.memory_space<hbm>> -> memref<8xi32, #tpu.memory_space<hbm>>
      %dma_wait3A_51 = tpu.memref_slice %arg3[%add3A_10] : memref<320000xi32, #tpu.memory_space<hbm>> -> memref<8xi32, #tpu.memory_space<hbm>>
      tpu.wait_dma2 semaphore(%run_scoped3A : memref<!tpu.dma_semaphore, #tpu.memory_space<semaphore_mem>>) src(%dma_wait3A_51 : memref<8xi32, #tpu.memory_space<hbm>>) dst(%arg12 : memref<8xi32, #tpu.memory_space<vmem>>)
      tpu.yield
    }) : () -> ()
    "tpu.region"() ({
      %run_scoped3A = tpu.sem_alloc : memref<!tpu.dma_semaphore, #tpu.memory_space<semaphore_mem>>
      %dma_start3A_49 = arith.constant 0 : i32
      %dma_start3A_50 = arith.constant 0 : i32
      %dma_start3A_51 = tpu.memref_slice %arg7[%dma_start3A_49, %dma_start3A_50] : memref<128x128xf32, #tpu.memory_space<vmem>> -> memref<8x128xf32, #tpu.memory_space<vmem>>
      %dma_start3A_52 = arith.constant 0 : i32
      %dma_start3A_53 = tpu.memref_slice %arg2[%add3A, %dma_start3A_52] : memref<160000x128xf32, #tpu.memory_space<hbm>> -> memref<8x128xf32, #tpu.memory_space<hbm>>
      %dma_start3A_54 = arith.constant 0 : i32
      %dma_start3A_55 = arith.constant 0 : i32
      %dma_start3A_56 = tpu.memref_slice %arg7[%dma_start3A_54, %dma_start3A_55] : memref<128x128xf32, #tpu.memory_space<vmem>> -> memref<8x128xf32, #tpu.memory_space<vmem>>
      %dma_start3A_57 = arith.constant 0 : i32
      %dma_start3A_58 = tpu.memref_slice %arg2[%add3A, %dma_start3A_57] : memref<160000x128xf32, #tpu.memory_space<hbm>> -> memref<8x128xf32, #tpu.memory_space<hbm>>
      tpu.enqueue_dma source(%dma_start3A_58 : memref<8x128xf32, #tpu.memory_space<hbm>>) target(%dma_start3A_56 : memref<8x128xf32, #tpu.memory_space<vmem>>) target_semaphore(%run_scoped3A : memref<!tpu.dma_semaphore, #tpu.memory_space<semaphore_mem>>)
      %dma_wait3A = arith.constant 0 : i32
      %dma_wait3A_59 = arith.constant 0 : i32
      %dma_wait3A_60 = tpu.memref_slice %arg7[%dma_wait3A, %dma_wait3A_59] : memref<128x128xf32, #tpu.memory_space<vmem>> -> memref<8x128xf32, #tpu.memory_space<vmem>>
      %dma_wait3A_61 = arith.constant 0 : i32
      %dma_wait3A_62 = tpu.memref_slice %arg2[%add3A, %dma_wait3A_61] : memref<160000x128xf32, #tpu.memory_space<hbm>> -> memref<8x128xf32, #tpu.memory_space<hbm>>
      %dma_wait3A_63 = arith.constant 0 : i32
      %dma_wait3A_64 = arith.constant 0 : i32
      %dma_wait3A_65 = tpu.memref_slice %arg7[%dma_wait3A_63, %dma_wait3A_64] : memref<128x128xf32, #tpu.memory_space<vmem>> -> memref<8x128xf32, #tpu.memory_space<vmem>>
      %dma_wait3A_66 = arith.constant 0 : i32
      %dma_wait3A_67 = tpu.memref_slice %arg2[%add3A, %dma_wait3A_66] : memref<160000x128xf32, #tpu.memory_space<hbm>> -> memref<8x128xf32, #tpu.memory_space<hbm>>
      tpu.wait_dma2 semaphore(%run_scoped3A : memref<!tpu.dma_semaphore, #tpu.memory_space<semaphore_mem>>) src(%dma_wait3A_67 : memref<8x128xf32, #tpu.memory_space<hbm>>) dst(%dma_wait3A_65 : memref<8x128xf32, #tpu.memory_space<vmem>>)
      tpu.yield
    }) : () -> ()
    "tpu.region"() ({
      %run_scoped3A = tpu.sem_alloc : memref<!tpu.dma_semaphore, #tpu.memory_space<semaphore_mem>>
      %dma_start3A_49 = arith.constant 0 : i32
      %dma_start3A_50 = arith.constant 0 : i32
      %dma_start3A_51 = tpu.memref_slice %arg7[%dma_start3A_49, %dma_start3A_50] : memref<128x128xf32, #tpu.memory_space<vmem>> -> memref<8x128xf32, #tpu.memory_space<vmem>>
      %dma_start3A_52 = arith.constant 0 : i32
      %dma_start3A_53 = arith.constant 0 : i32
      %dma_start3A_54 = tpu.memref_slice %arg19[%dma_start3A_52, %dma_start3A_53] : memref<10000x128xf32, #tpu.memory_space<vmem_shared>> -> memref<10000x128xf32, #tpu.memory_space<vmem_shared>>
      tpu.enqueue_indirect_dma source(%dma_start3A_51 : memref<8x128xf32, #tpu.memory_space<vmem>>) target(%dma_start3A_54 : memref<10000x128xf32, #tpu.memory_space<vmem_shared>>) offsets(%arg12 : memref<8xi32, #tpu.memory_space<vmem>>) semaphore(%run_scoped3A : memref<!tpu.dma_semaphore, #tpu.memory_space<semaphore_mem>>) {add = true}
      %dma_wait3A = arith.constant 0 : i32
      %dma_wait3A_55 = arith.constant 0 : i32
      %dma_wait3A_56 = tpu.memref_slice %arg7[%dma_wait3A, %dma_wait3A_55] : memref<128x128xf32, #tpu.memory_space<vmem>> -> memref<8x128xf32, #tpu.memory_space<vmem>>
      %dma_wait3A_57 = arith.constant 0 : i32
      %dma_wait3A_58 = arith.constant 0 : i32
      %dma_wait3A_59 = tpu.memref_slice %arg19[%dma_wait3A_57, %dma_wait3A_58] : memref<10000x128xf32, #tpu.memory_space<vmem_shared>> -> memref<10000x128xf32, #tpu.memory_space<vmem_shared>>
      tpu.wait_indirect_dma semaphore(%run_scoped3A : memref<!tpu.dma_semaphore, #tpu.memory_space<semaphore_mem>>) src(%dma_wait3A_56 : memref<8x128xf32, #tpu.memory_space<vmem>>) dst(%dma_wait3A_59 : memref<10000x128xf32, #tpu.memory_space<vmem_shared>>)
      tpu.yield
    }) : () -> ()
    %add3A_11 = arith.constant 8 : i32
    %add3A_12 = arith.addi %add3A, %add3A_11 : i32
    %add3A_13 = arith.constant 0 : i32
    %add3A_14 = arith.addi %add3A_12, %add3A_13 : i32
    %add3A_15 = arith.constant 160000 : i32
    %add3A_16 = arith.addi %add3A_15, %add3A_14 : i32
    %dma_start3A = tpu.memref_slice %arg3[%add3A_16] : memref<320000xi32, #tpu.memory_space<hbm>> -> memref<128xi32, #tpu.memory_space<hbm>>
    %dma_start3A_17 = tpu.memref_slice %arg3[%add3A_16] : memref<320000xi32, #tpu.memory_space<hbm>> -> memref<128xi32, #tpu.memory_space<hbm>>
    tpu.enqueue_dma source(%dma_start3A_17 : memref<128xi32, #tpu.memory_space<hbm>>) target(%arg6 : memref<128xi32, #tpu.memory_space<vmem>>) target_semaphore(%arg13 : memref<!tpu.dma_semaphore, #tpu.memory_space<semaphore_mem>>)
    %dma_start3A_18 = arith.constant 0 : i32
    %dma_start3A_19 = tpu.memref_slice %arg2[%add3A_14, %dma_start3A_18] : memref<160000x128xf32, #tpu.memory_space<hbm>> -> memref<128x128xf32, #tpu.memory_space<hbm>>
    %dma_start3A_20 = arith.constant 0 : i32
    %dma_start3A_21 = tpu.memref_slice %arg2[%add3A_14, %dma_start3A_20] : memref<160000x128xf32, #tpu.memory_space<hbm>> -> memref<128x128xf32, #tpu.memory_space<hbm>>
    tpu.enqueue_dma source(%dma_start3A_21 : memref<128x128xf32, #tpu.memory_space<hbm>>) target(%arg7 : memref<128x128xf32, #tpu.memory_space<vmem>>) target_semaphore(%arg14 : memref<!tpu.dma_semaphore, #tpu.memory_space<semaphore_mem>>)
    %add3A_22 = arith.constant 8 : i32
    %add3A_23 = arith.addi %add3A, %add3A_22 : i32
    %add3A_24 = arith.constant 128 : i32
    %add3A_25 = arith.addi %add3A_23, %add3A_24 : i32
    %add3A_26 = arith.constant 160000 : i32
    %add3A_27 = arith.addi %add3A_26, %add3A_25 : i32
    %dma_start3A_28 = tpu.memref_slice %arg3[%add3A_27] : memref<320000xi32, #tpu.memory_space<hbm>> -> memref<128xi32, #tpu.memory_space<hbm>>
    %dma_start3A_29 = tpu.memref_slice %arg3[%add3A_27] : memref<320000xi32, #tpu.memory_space<hbm>> -> memref<128xi32, #tpu.memory_space<hbm>>
    tpu.enqueue_dma source(%dma_start3A_29 : memref<128xi32, #tpu.memory_space<hbm>>) target(%arg8 : memref<128xi32, #tpu.memory_space<vmem>>) target_semaphore(%arg15 : memref<!tpu.dma_semaphore, #tpu.memory_space<semaphore_mem>>)
    %dma_start3A_30 = arith.constant 0 : i32
    %dma_start3A_31 = tpu.memref_slice %arg2[%add3A_25, %dma_start3A_30] : memref<160000x128xf32, #tpu.memory_space<hbm>> -> memref<128x128xf32, #tpu.memory_space<hbm>>
    %dma_start3A_32 = arith.constant 0 : i32
    %dma_start3A_33 = tpu.memref_slice %arg2[%add3A_25, %dma_start3A_32] : memref<160000x128xf32, #tpu.memory_space<hbm>> -> memref<128x128xf32, #tpu.memory_space<hbm>>
    tpu.enqueue_dma source(%dma_start3A_33 : memref<128x128xf32, #tpu.memory_space<hbm>>) target(%arg9 : memref<128x128xf32, #tpu.memory_space<vmem>>) target_semaphore(%arg16 : memref<!tpu.dma_semaphore, #tpu.memory_space<semaphore_mem>>)
    %scan3A = arith.constant 0 : i32
    %scan3A_34 = arith.constant 13 : i32
    %scan3A_35 = arith.addi %scan3A, %scan3A_34 : i32
    %scan3A_36 = arith.constant 1 : i32
    scf.for %scan3A_49 = %scan3A to %scan3A_35 step %scan3A_36  : i32 {
      %mul3A_50 = arith.constant 3 : i32
      %mul3A_51 = arith.muli %mul3A_50, %scan3A_49 : i32
      %add3A_52 = arith.constant 0 : i32
      %add3A_53 = arith.addi %mul3A_51, %add3A_52 : i32
      %add3A_54 = arith.constant 8 : i32
      %add3A_55 = arith.addi %add3A, %add3A_54 : i32
      %mul3A_56 = arith.constant 128 : i32
      %mul3A_57 = arith.muli %add3A_53, %mul3A_56 : i32
      %add3A_58 = arith.addi %add3A_55, %mul3A_57 : i32
      %add3A_59 = arith.constant 160000 : i32
      %add3A_60 = arith.addi %add3A_59, %add3A_58 : i32
      %dma_wait3A = tpu.memref_slice %arg3[%add3A_60] : memref<320000xi32, #tpu.memory_space<hbm>> -> memref<128xi32, #tpu.memory_space<hbm>>
      %dma_wait3A_61 = tpu.memref_slice %arg3[%add3A_60] : memref<320000xi32, #tpu.memory_space<hbm>> -> memref<128xi32, #tpu.memory_space<hbm>>
      tpu.wait_dma2 semaphore(%arg13 : memref<!tpu.dma_semaphore, #tpu.memory_space<semaphore_mem>>) src(%dma_wait3A_61 : memref<128xi32, #tpu.memory_space<hbm>>) dst(%arg6 : memref<128xi32, #tpu.memory_space<vmem>>)
      %dma_wait3A_62 = arith.constant 0 : i32
      %dma_wait3A_63 = tpu.memref_slice %arg2[%add3A_58, %dma_wait3A_62] : memref<160000x128xf32, #tpu.memory_space<hbm>> -> memref<128x128xf32, #tpu.memory_space<hbm>>
      %dma_wait3A_64 = arith.constant 0 : i32
      %dma_wait3A_65 = tpu.memref_slice %arg2[%add3A_58, %dma_wait3A_64] : memref<160000x128xf32, #tpu.memory_space<hbm>> -> memref<128x128xf32, #tpu.memory_space<hbm>>
      tpu.wait_dma2 semaphore(%arg14 : memref<!tpu.dma_semaphore, #tpu.memory_space<semaphore_mem>>) src(%dma_wait3A_65 : memref<128x128xf32, #tpu.memory_space<hbm>>) dst(%arg7 : memref<128x128xf32, #tpu.memory_space<vmem>>)
      %add3A_66 = arith.constant 2 : i32
      %add3A_67 = arith.addi %add3A_53, %add3A_66 : i32
      %lt3A_68 = arith.constant 39 : i32
      %lt3A_69 = arith.cmpi slt, %add3A_67, %lt3A_68 : i32
      %convert_element_type3A_70 = arith.extui %lt3A_69 : i1 to i32
      %cond3A_71 = arith.constant 0 : i32
      %cond3A_72 = arith.cmpi ne, %convert_element_type3A_70, %cond3A_71 : i32
      scf.if %cond3A_72 {
        %add3A_121 = arith.constant 2 : i32
        %add3A_122 = arith.addi %add3A_53, %add3A_121 : i32
        %add3A_123 = arith.constant 8 : i32
        %add3A_124 = arith.addi %add3A, %add3A_123 : i32
        %mul3A_125 = arith.constant 128 : i32
        %mul3A_126 = arith.muli %add3A_122, %mul3A_125 : i32
        %add3A_127 = arith.addi %add3A_124, %mul3A_126 : i32
        %add3A_128 = arith.constant 160000 : i32
        %add3A_129 = arith.addi %add3A_128, %add3A_127 : i32
        %dma_start3A_130 = tpu.memref_slice %arg3[%add3A_129] : memref<320000xi32, #tpu.memory_space<hbm>> -> memref<128xi32, #tpu.memory_space<hbm>>
        %dma_start3A_131 = tpu.memref_slice %arg3[%add3A_129] : memref<320000xi32, #tpu.memory_space<hbm>> -> memref<128xi32, #tpu.memory_space<hbm>>
        tpu.enqueue_dma source(%dma_start3A_131 : memref<128xi32, #tpu.memory_space<hbm>>) target(%arg10 : memref<128xi32, #tpu.memory_space<vmem>>) target_semaphore(%arg17 : memref<!tpu.dma_semaphore, #tpu.memory_space<semaphore_mem>>)
        %dma_start3A_132 = arith.constant 0 : i32
        %dma_start3A_133 = tpu.memref_slice %arg2[%add3A_127, %dma_start3A_132] : memref<160000x128xf32, #tpu.memory_space<hbm>> -> memref<128x128xf32, #tpu.memory_space<hbm>>
        %dma_start3A_134 = arith.constant 0 : i32
        %dma_start3A_135 = tpu.memref_slice %arg2[%add3A_127, %dma_start3A_134] : memref<160000x128xf32, #tpu.memory_space<hbm>> -> memref<128x128xf32, #tpu.memory_space<hbm>>
        tpu.enqueue_dma source(%dma_start3A_135 : memref<128x128xf32, #tpu.memory_space<hbm>>) target(%arg11 : memref<128x128xf32, #tpu.memory_space<vmem>>) target_semaphore(%arg18 : memref<!tpu.dma_semaphore, #tpu.memory_space<semaphore_mem>>)
      } else {
      }
      "tpu.region"() ({
        %run_scoped3A = tpu.sem_alloc : memref<!tpu.dma_semaphore, #tpu.memory_space<semaphore_mem>>
        %dma_start3A_121 = arith.constant 0 : i32
        %dma_start3A_122 = arith.constant 0 : i32
        %dma_start3A_123 = tpu.memref_slice %arg19[%dma_start3A_121, %dma_start3A_122] : memref<10000x128xf32, #tpu.memory_space<vmem_shared>> -> memref<10000x128xf32, #tpu.memory_space<vmem_shared>>
        tpu.enqueue_indirect_dma source(%arg7 : memref<128x128xf32, #tpu.memory_space<vmem>>) target(%dma_start3A_123 : memref<10000x128xf32, #tpu.memory_space<vmem_shared>>) offsets(%arg6 : memref<128xi32, #tpu.memory_space<vmem>>) semaphore(%run_scoped3A : memref<!tpu.dma_semaphore, #tpu.memory_space<semaphore_mem>>) {add = true}
        %dma_wait3A_124 = arith.constant 0 : i32
        %dma_wait3A_125 = arith.constant 0 : i32
        %dma_wait3A_126 = tpu.memref_slice %arg19[%dma_wait3A_124, %dma_wait3A_125] : memref<10000x128xf32, #tpu.memory_space<vmem_shared>> -> memref<10000x128xf32, #tpu.memory_space<vmem_shared>>
        tpu.wait_indirect_dma semaphore(%run_scoped3A : memref<!tpu.dma_semaphore, #tpu.memory_space<semaphore_mem>>) src(%arg7 : memref<128x128xf32, #tpu.memory_space<vmem>>) dst(%dma_wait3A_126 : memref<10000x128xf32, #tpu.memory_space<vmem_shared>>)
        tpu.yield
      }) : () -> ()
      %mul3A_73 = arith.constant 3 : i32
      %mul3A_74 = arith.muli %mul3A_73, %scan3A_49 : i32
      %add3A_75 = arith.constant 1 : i32
      %add3A_76 = arith.addi %mul3A_74, %add3A_75 : i32
      %add3A_77 = arith.constant 8 : i32
      %add3A_78 = arith.addi %add3A, %add3A_77 : i32
      %mul3A_79 = arith.constant 128 : i32
      %mul3A_80 = arith.muli %add3A_76, %mul3A_79 : i32
      %add3A_81 = arith.addi %add3A_78, %mul3A_80 : i32
      %add3A_82 = arith.constant 160000 : i32
      %add3A_83 = arith.addi %add3A_82, %add3A_81 : i32
      %dma_wait3A_84 = tpu.memref_slice %arg3[%add3A_83] : memref<320000xi32, #tpu.memory_space<hbm>> -> memref<128xi32, #tpu.memory_space<hbm>>
      %dma_wait3A_85 = tpu.memref_slice %arg3[%add3A_83] : memref<320000xi32, #tpu.memory_space<hbm>> -> memref<128xi32, #tpu.memory_space<hbm>>
      tpu.wait_dma2 semaphore(%arg15 : memref<!tpu.dma_semaphore, #tpu.memory_space<semaphore_mem>>) src(%dma_wait3A_85 : memref<128xi32, #tpu.memory_space<hbm>>) dst(%arg8 : memref<128xi32, #tpu.memory_space<vmem>>)
      %dma_wait3A_86 = arith.constant 0 : i32
      %dma_wait3A_87 = tpu.memref_slice %arg2[%add3A_81, %dma_wait3A_86] : memref<160000x128xf32, #tpu.memory_space<hbm>> -> memref<128x128xf32, #tpu.memory_space<hbm>>
      %dma_wait3A_88 = arith.constant 0 : i32
      %dma_wait3A_89 = tpu.memref_slice %arg2[%add3A_81, %dma_wait3A_88] : memref<160000x128xf32, #tpu.memory_space<hbm>> -> memref<128x128xf32, #tpu.memory_space<hbm>>
      tpu.wait_dma2 semaphore(%arg16 : memref<!tpu.dma_semaphore, #tpu.memory_space<semaphore_mem>>) src(%dma_wait3A_89 : memref<128x128xf32, #tpu.memory_space<hbm>>) dst(%arg9 : memref<128x128xf32, #tpu.memory_space<vmem>>)
      %add3A_90 = arith.constant 2 : i32
      %add3A_91 = arith.addi %add3A_76, %add3A_90 : i32
      %lt3A_92 = arith.constant 39 : i32
      %lt3A_93 = arith.cmpi slt, %add3A_91, %lt3A_92 : i32
      %convert_element_type3A_94 = arith.extui %lt3A_93 : i1 to i32
      %cond3A_95 = arith.constant 0 : i32
      %cond3A_96 = arith.cmpi ne, %convert_element_type3A_94, %cond3A_95 : i32
      scf.if %cond3A_96 {
        %add3A_121 = arith.constant 2 : i32
        %add3A_122 = arith.addi %add3A_76, %add3A_121 : i32
        %add3A_123 = arith.constant 8 : i32
        %add3A_124 = arith.addi %add3A, %add3A_123 : i32
        %mul3A_125 = arith.constant 128 : i32
        %mul3A_126 = arith.muli %add3A_122, %mul3A_125 : i32
        %add3A_127 = arith.addi %add3A_124, %mul3A_126 : i32
        %add3A_128 = arith.constant 160000 : i32
        %add3A_129 = arith.addi %add3A_128, %add3A_127 : i32
        %dma_start3A_130 = tpu.memref_slice %arg3[%add3A_129] : memref<320000xi32, #tpu.memory_space<hbm>> -> memref<128xi32, #tpu.memory_space<hbm>>
        %dma_start3A_131 = tpu.memref_slice %arg3[%add3A_129] : memref<320000xi32, #tpu.memory_space<hbm>> -> memref<128xi32, #tpu.memory_space<hbm>>
        tpu.enqueue_dma source(%dma_start3A_131 : memref<128xi32, #tpu.memory_space<hbm>>) target(%arg6 : memref<128xi32, #tpu.memory_space<vmem>>) target_semaphore(%arg13 : memref<!tpu.dma_semaphore, #tpu.memory_space<semaphore_mem>>)
        %dma_start3A_132 = arith.constant 0 : i32
        %dma_start3A_133 = tpu.memref_slice %arg2[%add3A_127, %dma_start3A_132] : memref<160000x128xf32, #tpu.memory_space<hbm>> -> memref<128x128xf32, #tpu.memory_space<hbm>>
        %dma_start3A_134 = arith.constant 0 : i32
        %dma_start3A_135 = tpu.memref_slice %arg2[%add3A_127, %dma_start3A_134] : memref<160000x128xf32, #tpu.memory_space<hbm>> -> memref<128x128xf32, #tpu.memory_space<hbm>>
        tpu.enqueue_dma source(%dma_start3A_135 : memref<128x128xf32, #tpu.memory_space<hbm>>) target(%arg7 : memref<128x128xf32, #tpu.memory_space<vmem>>) target_semaphore(%arg14 : memref<!tpu.dma_semaphore, #tpu.memory_space<semaphore_mem>>)
      } else {
      }
      "tpu.region"() ({
        %run_scoped3A = tpu.sem_alloc : memref<!tpu.dma_semaphore, #tpu.memory_space<semaphore_mem>>
        %dma_start3A_121 = arith.constant 0 : i32
        %dma_start3A_122 = arith.constant 0 : i32
        %dma_start3A_123 = tpu.memref_slice %arg19[%dma_start3A_121, %dma_start3A_122] : memref<10000x128xf32, #tpu.memory_space<vmem_shared>> -> memref<10000x128xf32, #tpu.memory_space<vmem_shared>>
        tpu.enqueue_indirect_dma source(%arg9 : memref<128x128xf32, #tpu.memory_space<vmem>>) target(%dma_start3A_123 : memref<10000x128xf32, #tpu.memory_space<vmem_shared>>) offsets(%arg8 : memref<128xi32, #tpu.memory_space<vmem>>) semaphore(%run_scoped3A : memref<!tpu.dma_semaphore, #tpu.memory_space<semaphore_mem>>) {add = true}
        %dma_wait3A_124 = arith.constant 0 : i32
        %dma_wait3A_125 = arith.constant 0 : i32
        %dma_wait3A_126 = tpu.memref_slice %arg19[%dma_wait3A_124, %dma_wait3A_125] : memref<10000x128xf32, #tpu.memory_space<vmem_shared>> -> memref<10000x128xf32, #tpu.memory_space<vmem_shared>>
        tpu.wait_indirect_dma semaphore(%run_scoped3A : memref<!tpu.dma_semaphore, #tpu.memory_space<semaphore_mem>>) src(%arg9 : memref<128x128xf32, #tpu.memory_space<vmem>>) dst(%dma_wait3A_126 : memref<10000x128xf32, #tpu.memory_space<vmem_shared>>)
        tpu.yield
      }) : () -> ()
      %mul3A_97 = arith.constant 3 : i32
      %mul3A_98 = arith.muli %mul3A_97, %scan3A_49 : i32
      %add3A_99 = arith.constant 2 : i32
      %add3A_100 = arith.addi %mul3A_98, %add3A_99 : i32
      %add3A_101 = arith.constant 8 : i32
      %add3A_102 = arith.addi %add3A, %add3A_101 : i32
      %mul3A_103 = arith.constant 128 : i32
      %mul3A_104 = arith.muli %add3A_100, %mul3A_103 : i32
      %add3A_105 = arith.addi %add3A_102, %mul3A_104 : i32
      %add3A_106 = arith.constant 160000 : i32
      %add3A_107 = arith.addi %add3A_106, %add3A_105 : i32
      %dma_wait3A_108 = tpu.memref_slice %arg3[%add3A_107] : memref<320000xi32, #tpu.memory_space<hbm>> -> memref<128xi32, #tpu.memory_space<hbm>>
      %dma_wait3A_109 = tpu.memref_slice %arg3[%add3A_107] : memref<320000xi32, #tpu.memory_space<hbm>> -> memref<128xi32, #tpu.memory_space<hbm>>
      tpu.wait_dma2 semaphore(%arg17 : memref<!tpu.dma_semaphore, #tpu.memory_space<semaphore_mem>>) src(%dma_wait3A_109 : memref<128xi32, #tpu.memory_space<hbm>>) dst(%arg10 : memref<128xi32, #tpu.memory_space<vmem>>)
      %dma_wait3A_110 = arith.constant 0 : i32
      %dma_wait3A_111 = tpu.memref_slice %arg2[%add3A_105, %dma_wait3A_110] : memref<160000x128xf32, #tpu.memory_space<hbm>> -> memref<128x128xf32, #tpu.memory_space<hbm>>
      %dma_wait3A_112 = arith.constant 0 : i32
      %dma_wait3A_113 = tpu.memref_slice %arg2[%add3A_105, %dma_wait3A_112] : memref<160000x128xf32, #tpu.memory_space<hbm>> -> memref<128x128xf32, #tpu.memory_space<hbm>>
      tpu.wait_dma2 semaphore(%arg18 : memref<!tpu.dma_semaphore, #tpu.memory_space<semaphore_mem>>) src(%dma_wait3A_113 : memref<128x128xf32, #tpu.memory_space<hbm>>) dst(%arg11 : memref<128x128xf32, #tpu.memory_space<vmem>>)
      %add3A_114 = arith.constant 2 : i32
      %add3A_115 = arith.addi %add3A_100, %add3A_114 : i32
      %lt3A_116 = arith.constant 39 : i32
      %lt3A_117 = arith.cmpi slt, %add3A_115, %lt3A_116 : i32
      %convert_element_type3A_118 = arith.extui %lt3A_117 : i1 to i32
      %cond3A_119 = arith.constant 0 : i32
      %cond3A_120 = arith.cmpi ne, %convert_element_type3A_118, %cond3A_119 : i32
      scf.if %cond3A_120 {
        %add3A_121 = arith.constant 2 : i32
        %add3A_122 = arith.addi %add3A_100, %add3A_121 : i32
        %add3A_123 = arith.constant 8 : i32
        %add3A_124 = arith.addi %add3A, %add3A_123 : i32
        %mul3A_125 = arith.constant 128 : i32
        %mul3A_126 = arith.muli %add3A_122, %mul3A_125 : i32
        %add3A_127 = arith.addi %add3A_124, %mul3A_126 : i32
        %add3A_128 = arith.constant 160000 : i32
        %add3A_129 = arith.addi %add3A_128, %add3A_127 : i32
        %dma_start3A_130 = tpu.memref_slice %arg3[%add3A_129] : memref<320000xi32, #tpu.memory_space<hbm>> -> memref<128xi32, #tpu.memory_space<hbm>>
        %dma_start3A_131 = tpu.memref_slice %arg3[%add3A_129] : memref<320000xi32, #tpu.memory_space<hbm>> -> memref<128xi32, #tpu.memory_space<hbm>>
        tpu.enqueue_dma source(%dma_start3A_131 : memref<128xi32, #tpu.memory_space<hbm>>) target(%arg8 : memref<128xi32, #tpu.memory_space<vmem>>) target_semaphore(%arg15 : memref<!tpu.dma_semaphore, #tpu.memory_space<semaphore_mem>>)
        %dma_start3A_132 = arith.constant 0 : i32
        %dma_start3A_133 = tpu.memref_slice %arg2[%add3A_127, %dma_start3A_132] : memref<160000x128xf32, #tpu.memory_space<hbm>> -> memref<128x128xf32, #tpu.memory_space<hbm>>
        %dma_start3A_134 = arith.constant 0 : i32
        %dma_start3A_135 = tpu.memref_slice %arg2[%add3A_127, %dma_start3A_134] : memref<160000x128xf32, #tpu.memory_space<hbm>> -> memref<128x128xf32, #tpu.memory_space<hbm>>
        tpu.enqueue_dma source(%dma_start3A_135 : memref<128x128xf32, #tpu.memory_space<hbm>>) target(%arg9 : memref<128x128xf32, #tpu.memory_space<vmem>>) target_semaphore(%arg16 : memref<!tpu.dma_semaphore, #tpu.memory_space<semaphore_mem>>)
      } else {
      }
      "tpu.region"() ({
        %run_scoped3A = tpu.sem_alloc : memref<!tpu.dma_semaphore, #tpu.memory_space<semaphore_mem>>
        %dma_start3A_121 = arith.constant 0 : i32
        %dma_start3A_122 = arith.constant 0 : i32
        %dma_start3A_123 = tpu.memref_slice %arg19[%dma_start3A_121, %dma_start3A_122] : memref<10000x128xf32, #tpu.memory_space<vmem_shared>> -> memref<10000x128xf32, #tpu.memory_space<vmem_shared>>
        tpu.enqueue_indirect_dma source(%arg11 : memref<128x128xf32, #tpu.memory_space<vmem>>) target(%dma_start3A_123 : memref<10000x128xf32, #tpu.memory_space<vmem_shared>>) offsets(%arg10 : memref<128xi32, #tpu.memory_space<vmem>>) semaphore(%run_scoped3A : memref<!tpu.dma_semaphore, #tpu.memory_space<semaphore_mem>>) {add = true}
        %dma_wait3A_124 = arith.constant 0 : i32
        %dma_wait3A_125 = arith.constant 0 : i32
        %dma_wait3A_126 = tpu.memref_slice %arg19[%dma_wait3A_124, %dma_wait3A_125] : memref<10000x128xf32, #tpu.memory_space<vmem_shared>> -> memref<10000x128xf32, #tpu.memory_space<vmem_shared>>
        tpu.wait_indirect_dma semaphore(%run_scoped3A : memref<!tpu.dma_semaphore, #tpu.memory_space<semaphore_mem>>) src(%arg11 : memref<128x128xf32, #tpu.memory_space<vmem>>) dst(%dma_wait3A_126 : memref<10000x128xf32, #tpu.memory_space<vmem_shared>>)
        tpu.yield
      }) : () -> ()
    }
    %scan3A_37 = arith.constant 13 : i32
    %barrier3A_38 = arith.constant 0 : index
    tpu.barrier barrier_id(%barrier3A_38)
    %lt3A_39 = arith.constant 15 : i32
    %lt3A_40 = arith.cmpi slt, %arg1, %lt3A_39 : i32
    %convert_element_type3A_41 = arith.extui %lt3A_40 : i1 to i32
    %cond3A_42 = arith.constant 0 : i32
    %cond3A_43 = arith.cmpi ne, %convert_element_type3A_41, %cond3A_42 : i32
    scf.if %cond3A_43 {
      %mul3A_49 = arith.constant 640 : i32
      %mul3A_50 = arith.muli %arg1, %mul3A_49 : i32
      %mul3A_51 = arith.constant 640 : i32
      %mul3A_52 = arith.muli %arg1, %mul3A_51 : i32
      "tpu.region"() ({
        %run_scoped3A = tpu.sem_alloc : memref<!tpu.dma_semaphore, #tpu.memory_space<semaphore_mem>>
        %dma_start3A_53 = arith.constant 0 : i32
        %dma_start3A_54 = tpu.memref_slice %arg5[%arg0, %mul3A_52, %dma_start3A_53] : memref<2x10000x128xf32, #tpu.memory_space<hbm>> -> memref<1x640x128xf32, #tpu.memory_space<hbm>>
        %dma_start3A_55 = tpu.memref_squeeze %dma_start3A_54 : memref<1x640x128xf32, #tpu.memory_space<hbm>> -> memref<640x128xf32, #tpu.memory_space<hbm>>
        %dma_start3A_56 = arith.constant 0 : i32
        %dma_start3A_57 = tpu.memref_slice %arg19[%mul3A_50, %dma_start3A_56] : memref<10000x128xf32, #tpu.memory_space<vmem_shared>> -> memref<640x128xf32, #tpu.memory_space<vmem_shared>>
        tpu.enqueue_dma source(%dma_start3A_57 : memref<640x128xf32, #tpu.memory_space<vmem_shared>>) target(%dma_start3A_55 : memref<640x128xf32, #tpu.memory_space<hbm>>) target_semaphore(%run_scoped3A : memref<!tpu.dma_semaphore, #tpu.memory_space<semaphore_mem>>)
        %dma_wait3A = arith.constant 0 : i32
        %dma_wait3A_58 = tpu.memref_slice %arg5[%arg0, %mul3A_52, %dma_wait3A] : memref<2x10000x128xf32, #tpu.memory_space<hbm>> -> memref<1x640x128xf32, #tpu.memory_space<hbm>>
        %dma_wait3A_59 = tpu.memref_squeeze %dma_wait3A_58 : memref<1x640x128xf32, #tpu.memory_space<hbm>> -> memref<640x128xf32, #tpu.memory_space<hbm>>
        %dma_wait3A_60 = arith.constant 0 : i32
        %dma_wait3A_61 = tpu.memref_slice %arg19[%mul3A_50, %dma_wait3A_60] : memref<10000x128xf32, #tpu.memory_space<vmem_shared>> -> memref<640x128xf32, #tpu.memory_space<vmem_shared>>
        tpu.wait_dma2 semaphore(%run_scoped3A : memref<!tpu.dma_semaphore, #tpu.memory_space<semaphore_mem>>) src(%dma_wait3A_61 : memref<640x128xf32, #tpu.memory_space<vmem_shared>>) dst(%dma_wait3A_59 : memref<640x128xf32, #tpu.memory_space<hbm>>)
        tpu.yield
      }) : () -> ()
    } else {
    }
    %eq3A_44 = arith.constant 15 : i32
    %eq3A_45 = arith.cmpi eq, %arg1, %eq3A_44 : i32
    %convert_element_type3A_46 = arith.extui %eq3A_45 : i1 to i32
    %cond3A_47 = arith.constant 0 : i32
    %cond3A_48 = arith.cmpi ne, %convert_element_type3A_46, %cond3A_47 : i32
    scf.if %cond3A_48 {
      "tpu.region"() ({
        %run_scoped3A = tpu.sem_alloc : memref<!tpu.dma_semaphore, #tpu.memory_space<semaphore_mem>>
        %dma_start3A_49 = arith.constant 9600 : i32
        %dma_start3A_50 = arith.constant 0 : i32
        %dma_start3A_51 = tpu.memref_slice %arg5[%arg0, %dma_start3A_49, %dma_start3A_50] : memref<2x10000x128xf32, #tpu.memory_space<hbm>> -> memref<1x400x128xf32, #tpu.memory_space<hbm>>
        %dma_start3A_52 = tpu.memref_squeeze %dma_start3A_51 : memref<1x400x128xf32, #tpu.memory_space<hbm>> -> memref<400x128xf32, #tpu.memory_space<hbm>>
        %dma_start3A_53 = arith.constant 9600 : i32
        %dma_start3A_54 = arith.constant 0 : i32
        %dma_start3A_55 = tpu.memref_slice %arg19[%dma_start3A_53, %dma_start3A_54] : memref<10000x128xf32, #tpu.memory_space<vmem_shared>> -> memref<400x128xf32, #tpu.memory_space<vmem_shared>>
        tpu.enqueue_dma source(%dma_start3A_55 : memref<400x128xf32, #tpu.memory_space<vmem_shared>>) target(%dma_start3A_52 : memref<400x128xf32, #tpu.memory_space<hbm>>) target_semaphore(%run_scoped3A : memref<!tpu.dma_semaphore, #tpu.memory_space<semaphore_mem>>)
        %dma_wait3A = arith.constant 9600 : i32
        %dma_wait3A_56 = arith.constant 0 : i32
        %dma_wait3A_57 = tpu.memref_slice %arg5[%arg0, %dma_wait3A, %dma_wait3A_56] : memref<2x10000x128xf32, #tpu.memory_space<hbm>> -> memref<1x400x128xf32, #tpu.memory_space<hbm>>
        %dma_wait3A_58 = tpu.memref_squeeze %dma_wait3A_57 : memref<1x400x128xf32, #tpu.memory_space<hbm>> -> memref<400x128xf32, #tpu.memory_space<hbm>>
        %dma_wait3A_59 = arith.constant 9600 : i32
        %dma_wait3A_60 = arith.constant 0 : i32
        %dma_wait3A_61 = tpu.memref_slice %arg19[%dma_wait3A_59, %dma_wait3A_60] : memref<10000x128xf32, #tpu.memory_space<vmem_shared>> -> memref<400x128xf32, #tpu.memory_space<vmem_shared>>
        tpu.wait_dma2 semaphore(%run_scoped3A : memref<!tpu.dma_semaphore, #tpu.memory_space<semaphore_mem>>) src(%dma_wait3A_61 : memref<400x128xf32, #tpu.memory_space<vmem_shared>>) dst(%dma_wait3A_58 : memref<400x128xf32, #tpu.memory_space<hbm>>)
        tpu.yield
      }) : () -> ()
    } else {
    }
    return
  }
}

module attributes {stable_mosaic.version = 14 : i64} {
  func.func @_edge_body(%arg0: i32, %arg1: memref<6x16000xf32, #tpu.memory_space<vmem>>, %arg2: memref<16000x128xf32, #tpu.memory_space<vmem>>, %arg3: memref<6x128xf32, #tpu.memory_space<vmem>>, %arg4: memref<16000x128xf32, #tpu.memory_space<vmem>>) attributes {dimension_semantics = [#tpu.dimension_semantics<arbitrary>], iteration_bounds = array<i64: 10>, scalar_prefetch = 0 : i64, scratch_operands = 0 : i64, tpu.core_type = #tpu.core_type<tc>, window_params = [{transform_indices = @transform_0, window_bounds = array<i64: 6, 16000>}, {transform_indices = @transform_1, window_bounds = array<i64: 16000, 128>}, {pipeline_mode = #tpu.pipeline_mode<synchronous>, transform_indices = @transform_2, window_bounds = array<i64: 6, 128>}, {transform_indices = @transform_3, window_bounds = array<i64: 16000, 128>}]} {
    %get3A = arith.constant 0 : index
    %get3A_0 = arith.constant 0 : index
    %get3A_1 = vector.load %arg1[%get3A, %get3A_0] : memref<6x16000xf32, #tpu.memory_space<vmem>>, vector<6x16000xf32>
    %get3A_2 = arith.constant 0 : index
    %get3A_3 = arith.constant 0 : index
    %get3A_4 = vector.load %arg3[%get3A_2, %get3A_3] : memref<6x128xf32, #tpu.memory_space<vmem>>, vector<6x128xf32>
    %dot_general3A = arith.constant dense<0.000000e+00> : vector<16000x128xf32>
    %dot_general3A_5 = tpu.matmul %get3A_1, %get3A_4, %dot_general3A {dimension_numbers = #tpu.dot_dimension_numbers<[0], [0], [1], [1], [0, 1, 1, 1], [], []>, transpose_lhs_hint = false} : vector<6x16000xf32>, vector<6x128xf32>, vector<16000x128xf32> -> vector<16000x128xf32>
    %get3A_6 = arith.constant 0 : index
    %get3A_7 = arith.constant 0 : index
    %get3A_8 = vector.load %arg2[%get3A_6, %get3A_7] : memref<16000x128xf32, #tpu.memory_space<vmem>>, vector<16000x128xf32>
    %mul3A = arith.mulf %dot_general3A_5, %get3A_8 : vector<16000x128xf32>
    %swap3A = arith.constant 0 : index
    %swap3A_9 = arith.constant 0 : index
    %swap3A_10 = vector.load %arg4[%swap3A, %swap3A_9] : memref<16000x128xf32, #tpu.memory_space<vmem>>, vector<16000x128xf32>
    tpu.vector_store %arg4[%swap3A, %swap3A_9], %mul3A {strides = array<i32>} : memref<16000x128xf32, #tpu.memory_space<vmem>>, vector<16000x128xf32>,
    return
  }
  func.func @transform_0(%arg0: i32) -> (i32, i32) {
    %add3A = arith.constant 0 : i32
    %add3A_0 = arith.addi %arg0, %add3A : i32
    %c0_i32 = arith.constant 0 : i32
    %c0_i32_1 = arith.constant 0 : i32
    return %c0_i32, %add3A_0 : i32, i32
  }
  func.func @transform_1(%arg0: i32) -> (i32, i32) {
    %add3A = arith.constant 0 : i32
    %add3A_0 = arith.addi %arg0, %add3A : i32
    %c0_i32 = arith.constant 0 : i32
    %c0_i32_1 = arith.constant 0 : i32
    return %add3A_0, %c0_i32 : i32, i32
  }
  func.func @transform_2(%arg0: i32) -> (i32, i32) {
    %c0_i32 = arith.constant 0 : i32
    %c0_i32_0 = arith.constant 0 : i32
    %c0_i32_1 = arith.constant 0 : i32
    return %c0_i32, %c0_i32_0 : i32, i32
  }
  func.func @transform_3(%arg0: i32) -> (i32, i32) {
    %c0_i32 = arith.constant 0 : i32
    %c0_i32_0 = arith.constant 0 : i32
    return %arg0, %c0_i32 : i32, i32
  }
}

module attributes {stable_mosaic.version = 14 : i64} {
  func.func @_edge_body(%arg0: i32, %arg1: memref<6x16000xf32, #tpu.memory_space<vmem>>, %arg2: memref<16000x128xf32, #tpu.memory_space<vmem>>, %arg3: memref<6x128xf32, #tpu.memory_space<vmem>>, %arg4: memref<16000x128xf32, #tpu.memory_space<vmem>>) attributes {dimension_semantics = [#tpu.dimension_semantics<arbitrary>], iteration_bounds = array<i64: 10>, scalar_prefetch = 0 : i64, scratch_operands = 0 : i64, tpu.core_type = #tpu.core_type<tc>, window_params = [{transform_indices = @transform_0, window_bounds = array<i64: 6, 16000>}, {transform_indices = @transform_1, window_bounds = array<i64: 16000, 128>}, {pipeline_mode = #tpu.pipeline_mode<synchronous>, transform_indices = @transform_2, window_bounds = array<i64: 6, 128>}, {transform_indices = @transform_3, window_bounds = array<i64: 16000, 128>}]} {
    %get3A = arith.constant 0 : index
    %get3A_0 = arith.constant 0 : index
    %get3A_1 = vector.load %arg1[%get3A, %get3A_0] : memref<6x16000xf32, #tpu.memory_space<vmem>>, vector<6x16000xf32>
    %get3A_2 = arith.constant 0 : index
    %get3A_3 = arith.constant 0 : index
    %get3A_4 = vector.load %arg3[%get3A_2, %get3A_3] : memref<6x128xf32, #tpu.memory_space<vmem>>, vector<6x128xf32>
    %dot_general3A = arith.constant dense<0.000000e+00> : vector<16000x128xf32>
    %dot_general3A_5 = tpu.matmul %get3A_1, %get3A_4, %dot_general3A {dimension_numbers = #tpu.dot_dimension_numbers<[0], [0], [1], [1], [0, 1, 1, 1], [], []>, transpose_lhs_hint = false} : vector<6x16000xf32>, vector<6x128xf32>, vector<16000x128xf32> -> vector<16000x128xf32>
    %get3A_6 = arith.constant 0 : index
    %get3A_7 = arith.constant 0 : index
    %get3A_8 = vector.load %arg2[%get3A_6, %get3A_7] : memref<16000x128xf32, #tpu.memory_space<vmem>>, vector<16000x128xf32>
    %mul3A = arith.mulf %dot_general3A_5, %get3A_8 : vector<16000x128xf32>
    %swap3A = arith.constant 0 : index
    %swap3A_9 = arith.constant 0 : index
    %swap3A_10 = vector.load %arg4[%swap3A, %swap3A_9] : memref<16000x128xf32, #tpu.memory_space<vmem>>, vector<16000x128xf32>
    tpu.vector_store %arg4[%swap3A, %swap3A_9], %mul3A {strides = array<i32>} : memref<16000x128xf32, #tpu.memory_space<vmem>>, vector<16000x128xf32>,
    return
  }
  func.func @transform_0(%arg0: i32) -> (i32, i32) {
    %add3A = arith.constant 10 : i32
    %add3A_0 = arith.addi %arg0, %add3A : i32
    %c0_i32 = arith.constant 0 : i32
    %c0_i32_1 = arith.constant 0 : i32
    return %c0_i32, %add3A_0 : i32, i32
  }
  func.func @transform_1(%arg0: i32) -> (i32, i32) {
    %add3A = arith.constant 10 : i32
    %add3A_0 = arith.addi %arg0, %add3A : i32
    %c0_i32 = arith.constant 0 : i32
    %c0_i32_1 = arith.constant 0 : i32
    return %add3A_0, %c0_i32 : i32, i32
  }
  func.func @transform_2(%arg0: i32) -> (i32, i32) {
    %c0_i32 = arith.constant 0 : i32
    %c0_i32_0 = arith.constant 0 : i32
    %c0_i32_1 = arith.constant 0 : i32
    return %c0_i32, %c0_i32_0 : i32, i32
  }
  func.func @transform_3(%arg0: i32) -> (i32, i32) {
    %c0_i32 = arith.constant 0 : i32
    %c0_i32_0 = arith.constant 0 : i32
    return %arg0, %c0_i32 : i32, i32
  }
}

module attributes {stable_mosaic.version = 14 : i64} {
  func.func @_mlp_body(%arg0: i32, %arg1: memref<2x1000x128xf32, #tpu.memory_space<vmem>>, %arg2: memref<2x1000x128xf32, #tpu.memory_space<vmem>>, %arg3: memref<256x128xf32, #tpu.memory_space<vmem>>, %arg4: memref<3x256x256xf32, #tpu.memory_space<vmem>>, %arg5: memref<3x256xf32, #tpu.memory_space<vmem>>, %arg6: memref<1x256xf32, #tpu.memory_space<vmem>>, %arg7: memref<1000x1xf32, #tpu.memory_space<vmem>>) attributes {dimension_semantics = [#tpu.dimension_semantics<arbitrary>], iteration_bounds = array<i64: 10>, scalar_prefetch = 0 : i64, scratch_operands = 0 : i64, tpu.core_type = #tpu.core_type<tc>, window_params = [{transform_indices = @transform_0, window_bounds = array<i64: 2, 1000, 128>}, {transform_indices = @transform_1, window_bounds = array<i64: 2, 1000, 128>}, {pipeline_mode = #tpu.pipeline_mode<synchronous>, transform_indices = @transform_2, window_bounds = array<i64: 256, 128>}, {pipeline_mode = #tpu.pipeline_mode<synchronous>, transform_indices = @transform_3, window_bounds = array<i64: 3, 256, 256>}, {pipeline_mode = #tpu.pipeline_mode<synchronous>, transform_indices = @transform_4, window_bounds = array<i64: 3, 256>}, {pipeline_mode = #tpu.pipeline_mode<synchronous>, transform_indices = @transform_5, window_bounds = array<i64: 1, 256>}, {transform_indices = @transform_6, window_bounds = array<i64: 1000, 1>}]} {
    %get3A = arith.constant 0 : index
    %get3A_0 = arith.constant 0 : index
    %get3A_1 = arith.constant 0 : index
    %get3A_2 = vector.load %arg1[%get3A, %get3A_0, %get3A_1] : memref<2x1000x128xf32, #tpu.memory_space<vmem>>, vector<1x1000x128xf32>
    %get3A_3 = vector.shape_cast %get3A_2 : vector<1x1000x128xf32> to vector<1000x128xf32>
    %get3A_4 = arith.constant 1 : index
    %get3A_5 = arith.constant 0 : index
    %get3A_6 = arith.constant 0 : index
    %get3A_7 = vector.load %arg1[%get3A_4, %get3A_5, %get3A_6] : memref<2x1000x128xf32, #tpu.memory_space<vmem>>, vector<1x1000x128xf32>
    %get3A_8 = vector.shape_cast %get3A_7 : vector<1x1000x128xf32> to vector<1000x128xf32>
    %add3A = arith.addf %get3A_3, %get3A_8 : vector<1000x128xf32>
    %get3A_9 = arith.constant 0 : index
    %get3A_10 = arith.constant 0 : index
    %get3A_11 = arith.constant 0 : index
    %get3A_12 = vector.load %arg2[%get3A_9, %get3A_10, %get3A_11] : memref<2x1000x128xf32, #tpu.memory_space<vmem>>, vector<1x1000x128xf32>
    %get3A_13 = vector.shape_cast %get3A_12 : vector<1x1000x128xf32> to vector<1000x128xf32>
    %get3A_14 = arith.constant 1 : index
    %get3A_15 = arith.constant 0 : index
    %get3A_16 = arith.constant 0 : index
    %get3A_17 = vector.load %arg2[%get3A_14, %get3A_15, %get3A_16] : memref<2x1000x128xf32, #tpu.memory_space<vmem>>, vector<1x1000x128xf32>
    %get3A_18 = vector.shape_cast %get3A_17 : vector<1x1000x128xf32> to vector<1000x128xf32>
    %add3A_19 = arith.addf %get3A_13, %get3A_18 : vector<1000x128xf32>
    %add3A_20 = arith.addf %add3A, %add3A_19 : vector<1000x128xf32>
    %get3A_21 = arith.constant 0 : index
    %get3A_22 = arith.constant 0 : index
    %get3A_23 = vector.load %arg3[%get3A_21, %get3A_22] : memref<256x128xf32, #tpu.memory_space<vmem>>, vector<256x128xf32>
    %convert_element_type3A = arith.truncf %add3A_20 : vector<1000x128xf32> to vector<1000x128xbf16>
    %convert_element_type3A_24 = arith.truncf %get3A_23 : vector<256x128xf32> to vector<256x128xbf16>
    %dot_general3A = arith.constant dense<0.000000e+00> : vector<1000x256xf32>
    %dot_general3A_25 = tpu.matmul %convert_element_type3A, %convert_element_type3A_24, %dot_general3A {dimension_numbers = #tpu.dot_dimension_numbers<[1], [1], [0], [0], [0, 0, 1, 0], [], []>, transpose_lhs_hint = false} : vector<1000x128xbf16>, vector<256x128xbf16>, vector<1000x256xf32> -> vector<1000x256xf32>
    %get3A_26 = arith.constant 0 : index
    %get3A_27 = arith.constant 0 : index
    %get3A_28 = arith.constant 0 : index
    %get3A_29 = vector.load %arg4[%get3A_26, %get3A_27, %get3A_28] : memref<3x256x256xf32, #tpu.memory_space<vmem>>, vector<1x256x256xf32>
    %get3A_30 = vector.shape_cast %get3A_29 : vector<1x256x256xf32> to vector<256x256xf32>
    %convert_element_type3A_31 = arith.truncf %dot_general3A_25 : vector<1000x256xf32> to vector<1000x256xbf16>
    %convert_element_type3A_32 = arith.truncf %get3A_30 : vector<256x256xf32> to vector<256x256xbf16>
    %dot_general3A_33 = arith.constant dense<0.000000e+00> : vector<1000x256xf32>
    %dot_general3A_34 = tpu.matmul %convert_element_type3A_31, %convert_element_type3A_32, %dot_general3A_33 {dimension_numbers = #tpu.dot_dimension_numbers<[1], [1], [0], [0], [0, 0, 1, 0], [], []>, transpose_lhs_hint = false} : vector<1000x256xbf16>, vector<256x256xbf16>, vector<1000x256xf32> -> vector<1000x256xf32>
    %get3A_35 = arith.constant 0 : index
    %get3A_36 = arith.constant 0 : index
    %get3A_37 = vector.load %arg5[%get3A_35, %get3A_36] : memref<3x256xf32, #tpu.memory_space<vmem>>, vector<1x256xf32>
    %get3A_38 = vector.shape_cast %get3A_37 : vector<1x256xf32> to vector<256xf32>
    %broadcast_in_dim3A = vector.shape_cast %get3A_38 : vector<256xf32> to vector<1x256xf32>
    %add3A_39 = vector.broadcast %broadcast_in_dim3A : vector<1x256xf32> to vector<1000x256xf32>
    %add3A_40 = arith.addf %dot_general3A_34, %add3A_39 : vector<1000x256xf32>
    %logistic3A = arith.negf %add3A_40 : vector<1000x256xf32>
    %logistic3A_41 = math.exp %logistic3A : vector<1000x256xf32>
    %logistic3A_42 = arith.constant 1.000000e+00 : f32
    %logistic3A_43 = vector.broadcast %logistic3A_42 : f32 to vector<1000x256xf32>
    %logistic3A_44 = arith.addf %logistic3A_43, %logistic3A_41 : vector<1000x256xf32>
    %logistic3A_45 = arith.divf %logistic3A_43, %logistic3A_44 : vector<1000x256xf32>
    %mul3A = arith.mulf %add3A_40, %logistic3A_45 : vector<1000x256xf32>
    %get3A_46 = arith.constant 1 : index
    %get3A_47 = arith.constant 0 : index
    %get3A_48 = arith.constant 0 : index
    %get3A_49 = vector.load %arg4[%get3A_46, %get3A_47, %get3A_48] : memref<3x256x256xf32, #tpu.memory_space<vmem>>, vector<1x256x256xf32>
    %get3A_50 = vector.shape_cast %get3A_49 : vector<1x256x256xf32> to vector<256x256xf32>
    %convert_element_type3A_51 = arith.truncf %mul3A : vector<1000x256xf32> to vector<1000x256xbf16>
    %convert_element_type3A_52 = arith.truncf %get3A_50 : vector<256x256xf32> to vector<256x256xbf16>
    %dot_general3A_53 = arith.constant dense<0.000000e+00> : vector<1000x256xf32>
    %dot_general3A_54 = tpu.matmul %convert_element_type3A_51, %convert_element_type3A_52, %dot_general3A_53 {dimension_numbers = #tpu.dot_dimension_numbers<[1], [1], [0], [0], [0, 0, 1, 0], [], []>, transpose_lhs_hint = false} : vector<1000x256xbf16>, vector<256x256xbf16>, vector<1000x256xf32> -> vector<1000x256xf32>
    %get3A_55 = arith.constant 1 : index
    %get3A_56 = arith.constant 0 : index
    %get3A_57 = vector.load %arg5[%get3A_55, %get3A_56] : memref<3x256xf32, #tpu.memory_space<vmem>>, vector<1x256xf32>
    %get3A_58 = vector.shape_cast %get3A_57 : vector<1x256xf32> to vector<256xf32>
    %broadcast_in_dim3A_59 = vector.shape_cast %get3A_58 : vector<256xf32> to vector<1x256xf32>
    %add3A_60 = vector.broadcast %broadcast_in_dim3A_59 : vector<1x256xf32> to vector<1000x256xf32>
    %add3A_61 = arith.addf %dot_general3A_54, %add3A_60 : vector<1000x256xf32>
    %logistic3A_62 = arith.negf %add3A_61 : vector<1000x256xf32>
    %logistic3A_63 = math.exp %logistic3A_62 : vector<1000x256xf32>
    %logistic3A_64 = arith.constant 1.000000e+00 : f32
    %logistic3A_65 = vector.broadcast %logistic3A_64 : f32 to vector<1000x256xf32>
    %logistic3A_66 = arith.addf %logistic3A_65, %logistic3A_63 : vector<1000x256xf32>
    %logistic3A_67 = arith.divf %logistic3A_65, %logistic3A_66 : vector<1000x256xf32>
    %mul3A_68 = arith.mulf %add3A_61, %logistic3A_67 : vector<1000x256xf32>
    %get3A_69 = arith.constant 2 : index
    %get3A_70 = arith.constant 0 : index
    %get3A_71 = arith.constant 0 : index
    %get3A_72 = vector.load %arg4[%get3A_69, %get3A_70, %get3A_71] : memref<3x256x256xf32, #tpu.memory_space<vmem>>, vector<1x256x256xf32>
    %get3A_73 = vector.shape_cast %get3A_72 : vector<1x256x256xf32> to vector<256x256xf32>
    %convert_element_type3A_74 = arith.truncf %mul3A_68 : vector<1000x256xf32> to vector<1000x256xbf16>
    %convert_element_type3A_75 = arith.truncf %get3A_73 : vector<256x256xf32> to vector<256x256xbf16>
    %dot_general3A_76 = arith.constant dense<0.000000e+00> : vector<1000x256xf32>
    %dot_general3A_77 = tpu.matmul %convert_element_type3A_74, %convert_element_type3A_75, %dot_general3A_76 {dimension_numbers = #tpu.dot_dimension_numbers<[1], [1], [0], [0], [0, 0, 1, 0], [], []>, transpose_lhs_hint = false} : vector<1000x256xbf16>, vector<256x256xbf16>, vector<1000x256xf32> -> vector<1000x256xf32>
    %get3A_78 = arith.constant 2 : index
    %get3A_79 = arith.constant 0 : index
    %get3A_80 = vector.load %arg5[%get3A_78, %get3A_79] : memref<3x256xf32, #tpu.memory_space<vmem>>, vector<1x256xf32>
    %get3A_81 = vector.shape_cast %get3A_80 : vector<1x256xf32> to vector<256xf32>
    %broadcast_in_dim3A_82 = vector.shape_cast %get3A_81 : vector<256xf32> to vector<1x256xf32>
    %add3A_83 = vector.broadcast %broadcast_in_dim3A_82 : vector<1x256xf32> to vector<1000x256xf32>
    %add3A_84 = arith.addf %dot_general3A_77, %add3A_83 : vector<1000x256xf32>
    %logistic3A_85 = arith.negf %add3A_84 : vector<1000x256xf32>
    %logistic3A_86 = math.exp %logistic3A_85 : vector<1000x256xf32>
    %logistic3A_87 = arith.constant 1.000000e+00 : f32
    %logistic3A_88 = vector.broadcast %logistic3A_87 : f32 to vector<1000x256xf32>
    %logistic3A_89 = arith.addf %logistic3A_88, %logistic3A_86 : vector<1000x256xf32>
    %logistic3A_90 = arith.divf %logistic3A_88, %logistic3A_89 : vector<1000x256xf32>
    %mul3A_91 = arith.mulf %add3A_84, %logistic3A_90 : vector<1000x256xf32>
    %get3A_92 = arith.constant 0 : index
    %get3A_93 = arith.constant 0 : index
    %get3A_94 = vector.load %arg6[%get3A_92, %get3A_93] : memref<1x256xf32, #tpu.memory_space<vmem>>, vector<1x256xf32>
    %dot_general3A_95 = arith.constant dense<0.000000e+00> : vector<1000x1xf32>
    %dot_general3A_96 = tpu.matmul %mul3A_91, %get3A_94, %dot_general3A_95 {dimension_numbers = #tpu.dot_dimension_numbers<[1], [1], [0], [0], [0, 0, 1, 0], [], []>, transpose_lhs_hint = false} : vector<1000x256xf32>, vector<1x256xf32>, vector<1000x1xf32> -> vector<1000x1xf32>
    %swap3A = arith.constant 0 : index
    %swap3A_97 = arith.constant 0 : index
    %swap3A_98 = vector.load %arg7[%swap3A, %swap3A_97] : memref<1000x1xf32, #tpu.memory_space<vmem>>, vector<1000x1xf32>
    tpu.vector_store %arg7[%swap3A, %swap3A_97], %dot_general3A_96 {strides = array<i32>} : memref<1000x1xf32, #tpu.memory_space<vmem>>, vector<1000x1xf32>,
    return
  }
  func.func @transform_0(%arg0: i32) -> (i32, i32, i32) {
    %c0_i32 = arith.constant 0 : i32
    %c0_i32_0 = arith.constant 0 : i32
    %c0_i32_1 = arith.constant 0 : i32
    return %c0_i32, %arg0, %c0_i32_0 : i32, i32, i32
  }
  func.func @transform_1(%arg0: i32) -> (i32, i32, i32) {
    %c0_i32 = arith.constant 0 : i32
    %c0_i32_0 = arith.constant 0 : i32
    %c0_i32_1 = arith.constant 0 : i32
    return %c0_i32, %arg0, %c0_i32_0 : i32, i32, i32
  }
  func.func @transform_2(%arg0: i32) -> (i32, i32) {
    %c0_i32 = arith.constant 0 : i32
    %c0_i32_0 = arith.constant 0 : i32
    %c0_i32_1 = arith.constant 0 : i32
    return %c0_i32, %c0_i32_0 : i32, i32
  }
  func.func @transform_3(%arg0: i32) -> (i32, i32, i32) {
    %c0_i32 = arith.constant 0 : i32
    %c0_i32_0 = arith.constant 0 : i32
    %c0_i32_1 = arith.constant 0 : i32
    %c0_i32_2 = arith.constant 0 : i32
    return %c0_i32, %c0_i32_0, %c0_i32_1 : i32, i32, i32
  }
  func.func @transform_4(%arg0: i32) -> (i32, i32) {
    %c0_i32 = arith.constant 0 : i32
    %c0_i32_0 = arith.constant 0 : i32
    %c0_i32_1 = arith.constant 0 : i32
    return %c0_i32, %c0_i32_0 : i32, i32
  }
  func.func @transform_5(%arg0: i32) -> (i32, i32) {
    %c0_i32 = arith.constant 0 : i32
    %c0_i32_0 = arith.constant 0 : i32
    %c0_i32_1 = arith.constant 0 : i32
    return %c0_i32, %c0_i32_0 : i32, i32
  }
  func.func @transform_6(%arg0: i32) -> (i32, i32) {
    %c0_i32 = arith.constant 0 : i32
    %c0_i32_0 = arith.constant 0 : i32
    return %arg0, %c0_i32 : i32, i32
  }
}

</mosaic_0001>

<sc_bundles>
// kernel: kernel.10.cloned.1.call-start
scs
__scs_entry_jumppad:
0x0: {  	(pc) =	sbr.rel $0x88, $3  }
0x1: {  	(tag) =	ssettag $0x0;
	lr =	simm.s32 $0x1  }
0x2: {  	[smem:$0x3F99] =	sst lr;
	_ =	strace $0xD0000000  }
0x3: {  	_ = 	snop  }
0x4: {  	_ = 	snop  }
0x5: {  	_ = 	snop  }
0x6: {  	_ = 	snop  }
0x7: {  	_ = 	snop  }
__scs_overlays_trampoline_lowered:
0x8: {  	[smem:$0x3FA8] =	sst s0  }
0x9: {  	[smem:$0x3FA9] =	sst s1  }
0xa: {  	[smem:$0x3FAA] =	sst s2  }
0xb: {  	[smem:$0x3FAB] =	sst s3  }
0xc: {  	[smem:$0x3FAC] =	sst s4  }
0xd: {  	[smem:$0x3FAD] =	sst s5  }
0xe: {  	[smem:$0x3FAE] =	sst s6  }
0xf: {  	[smem:$0x3FAF] =	sst s7  }
0x10: {  	[smem:$0x3FB0] =	sst s8  }
0x11: {  	[smem:$0x3FB1] =	sst s9;
	s0 =	simm.s32 @!p0 $0x0  }
0x12: {  	s1 =	sld [smem:$0x3F97];
	s0 =	simm.s32 @p0 $0x1  }
0x13: {  	[smem:$0x3FB2] =	sst s0;
	s0 =	simm.s32 @!p1 $0x0  }
0x14: {  	s2 =	sld [smem:$0x3F96];
	s0 =	simm.s32 @p1 $0x1  }
0x15: {  	[smem:$0x3FB3] =	sst s0;
	s0 =	simm.s32 @!p2 $0x0  }
0x16: {  	s3 =	sld [smem:$0x3FDB];
	s0 =	simm.s32 @p2 $0x1  }
0x17: {  	s4 =	simm.s32 $0x1BF5;
	[smem:$0x3FB5] =	sst s0  }
0x18: {  	s0 =	sld [smem:$0x3F98];
	_ =	swait.ge [sflag:s4], $0x0  }
0x19: {  	s7 =	sld [smem:$0x3F99]  }
0x1a: {  	s8 =	sadd.s32 $0xFFFFE003, lr  }
0x1b: {  	s9 =	sadd.s32 $0xFFFFFEF7, lr;
	s5 =	simm.s32 $0xFFFFFFFF;
	p2 =	slt.u32 s8, $0xFFFFF086  }
0x1c: {  	p1 =	slt.u32 s9, $0xF7A;
	s5 =	simm.s32 @!p2 $0x0  }
0x1d: {  	s5 =	simm.s32 @p1 $0x1;
	p0 =	seq.s32 s7, s2  }
0x1e: {  	s7 =	smul.u32 @!p0 $0xF7A, s2;
	p2 =	seq.s32 @!p0 s5, $0x0  }
0x1f: {  	s9 =	smul.u32 $0xF7A, s1;
	s8 =	simm.s32 @!p0 $0x1BF5;
	p2 =	por !p2, p0  }
0x20: {  	[sflag:s8] =	ssyncset.s32 @!p0 $0xFFFFF086;
	s6 =	sadd.s32 @!p0 s3, s7;
	s7 =	simm.s32 @!p0 $0x108  }
0x21: {  	s3 =	sadd.s32 s3, s9;
	s6 =	sadd.s32 @!p0 $0x88, s6;
	s7 =	simm.s32 @p2 $0x1082  }
0x22: {  	[simem:s7], [sflag:s8] =	dma.local @!p0 [hbm:s6], $0xF7A  }
0x23: {  	s9 =	sor.u32 $0xD0000000, s2;
	s6 =	simm.s32 $0x108;
	_ =	swait.ge @!p0 [sflag:s8], $0x0  }
0x24: {  	s3 =	sadd.s32 $0x88, s3;
	s6 =	simm.s32 @!p1 $0x1082;
	[sflag:s4] =	ssyncset.s32 $0xFFFFF086  }
0x25: {  	[simem:s6], [sflag:s4] =	dma.local [hbm:s3], $0xF7A  }
0x26: {  	[smem:$0x3F99] =	sst s1;
	(tag) =	ssettag s2;
	_ =	strace s9  }
0x27: {  	s1 =	sld [smem:$0x3FA9]  }
0x28: {  	s2 =	sld [smem:$0x3FAA]  }
0x29: {  	s4 =	sld [smem:$0x3FAC]  }
0x2a: {  	p0 =	seq.s32 s5, $0x0;
	s5 =	sld [smem:$0x3FAD]  }
0x2b: {  	s6 =	sld [smem:$0x3FAE]  }
0x2c: {  	s7 =	sld [smem:$0x3FAF]  }
0x2d: {  	s3 =	simm.s32 $0x108;
	s8 =	sld [smem:$0x3FB0]  }
0x2e: {  	s3 =	simm.s32 @!p0 $0x1082;
	s9 =	sld [smem:$0x3FB1]  }
0x2f: {  	lr =	sadd.s32 s0, s3;
	s0 =	sld [smem:$0x3FA8]  }
0x30: {  	s3 =	sld [smem:$0x3FAB]  }
0x31: {  	[smem:$0x3FB4] =	sst s10  }
0x32: {  	s10 =	sld [smem:$0x3FB2];
	_ =	sdelay $0x3  }
0x33: {  	p0 =	seq.s32 s10, $0x1;
	s10 =	sld [smem:$0x3FB4];
	_ =	sdelay $0x3  }
0x34: {  	[smem:$0x3FB4] =	sst s10  }
0x35: {  	s10 =	sld [smem:$0x3FB3];
	_ =	sdelay $0x3  }
0x36: {  	p1 =	seq.s32 s10, $0x1;
	s10 =	sld [smem:$0x3FB4];
	_ =	sdelay $0x3  }
0x37: {  	[smem:$0x3FB4] =	sst s10  }
0x38: {  	s10 =	sld [smem:$0x3FB5]  }
0x39: {  	_ = 	snop;
	(pc) =	sbr.ind lr, $3  }
0x3a: {  	_ = 	snop  }
0x3b: {  	_ = 	snop  }
0x3c: {  	p2 =	seq.s32 s10, $0x1;
	s10 =	sld [smem:$0x3FB4]  }
0x3d: {  	_ =	shalt  }
0x3e: {  	_ =	shalt  }
0x3f: {  	_ =	shalt  }
0x40: {  	_ =	shalt  }
0x41: {  	_ =	shalt  }
0x42: {  	_ =	shalt  }
0x43: {  	_ =	shalt  }
0x44: {  	_ =	shalt  }
0x45: {  	_ =	shalt  }
0x46: {  	_ =	shalt  }
0x47: {  	_ =	shalt  }
0x48: {  	_ =	shalt  }
0x49: {  	_ =	shalt  }
0x4a: {  	_ =	shalt  }
0x4b: {  	_ =	shalt  }
0x4c: {  	_ =	shalt  }
0x4d: {  	_ =	shalt  }
0x4e: {  	_ =	shalt  }
0x4f: {  	_ =	shalt  }
0x50: {  	_ =	shalt  }
0x51: {  	_ =	shalt  }
0x52: {  	_ =	shalt  }
0x53: {  	_ =	shalt  }
0x54: {  	_ =	shalt  }
0x55: {  	_ =	shalt  }
0x56: {  	_ =	shalt  }
0x57: {  	_ =	shalt  }
0x58: {  	_ =	shalt  }
0x59: {  	_ =	shalt  }
0x5a: {  	_ =	shalt  }
0x5b: {  	_ =	shalt  }
0x5c: {  	_ =	shalt  }
0x5d: {  	_ =	shalt  }
0x5e: {  	_ =	shalt  }
0x5f: {  	_ =	shalt  }
0x60: {  	_ =	shalt  }
0x61: {  	_ =	shalt  }
0x62: {  	_ =	shalt  }
0x63: {  	_ =	shalt  }
0x64: {  	_ =	shalt  }
0x65: {  	_ =	shalt  }
0x66: {  	_ =	shalt  }
0x67: {  	_ =	shalt  }
0x68: {  	_ =	shalt  }
0x69: {  	_ =	shalt  }
0x6a: {  	_ =	shalt  }
0x6b: {  	_ =	shalt  }
0x6c: {  	_ =	shalt  }
0x6d: {  	_ =	shalt  }
0x6e: {  	_ =	shalt  }
0x6f: {  	_ =	shalt  }
0x70: {  	_ =	shalt  }
0x71: {  	_ =	shalt  }
0x72: {  	_ =	shalt  }
0x73: {  	_ =	shalt  }
0x74: {  	_ =	shalt  }
0x75: {  	_ =	shalt  }
0x76: {  	_ =	shalt  }
0x77: {  	_ =	shalt  }
0x78: {  	_ =	shalt  }
0x79: {  	_ =	shalt  }
0x7a: {  	_ =	shalt  }
0x7b: {  	_ =	shalt  }
0x7c: {  	_ =	shalt  }
0x7d: {  	_ =	shalt  }
0x7e: {  	_ =	shalt  }
0x7f: {  	_ =	shalt  }
0x80: {  	_ =	shalt  }
0x81: {  	_ =	shalt  }
0x82: {  	_ =	shalt  }
0x83: {  	_ =	shalt  }
0x84: {  	_ =	shalt  }
0x85: {  	_ =	shalt  }
0x86: {  	_ =	shalt  }
0x87: {  	_ =	shalt  }
.Lfunc_end0:
.L_simem_size_0:
called_computation.1_lowered:
.L_overlay_start_0:
0x88: {  	s2 =	sld [smem:$0x3FD9]  }
0x89: {  	s3 =	sld [smem:$0x3FFE];
	_ =	sdelay $0x1  }
0x8a: {  	s1 =	srdreg.scid  }
0x8b: {  	s0 =	sand.u32 $0x1, s1  }
0x8c: {  	s17 =	sshll.u32 s0, $0xA;
	s2 =	sadd.s32 s3, s2  }
0x8d: {  	s2 =	sadd.s32 s2, s17  }
0x8e: {  	[smem:$0x3FC0] =	sst s2  }
0x8f: {  	_ = 	snop  }
0x90: {  	s2 =	sld [smem:$0x3FC7];
	(tm) =	ssettm $0x1  }
0x91: {  	s18 =	sld [smem:$0x3FFB];
	_ =	sdelay $0x3  }
0x92: {  	_ =	strace s18  }
0x93: {  	s3 =	sld [smem:$0x3FFC];
	_ =	sdelay $0x3  }
0x94: {  	_ =	strace s3  }
0x95: {  	s3 =	sld [smem:$0x3FFD];
	_ =	sdelay $0x3  }
0x96: {  	_ =	strace s3  }
0x97: {  	_ =	strace $0x8FFFFFFF  }
0x98: {  	s19 =	sld [smem:$0x3FDB];
	_ =	sdelay $0x1  }
0x99: {  	s4 =	simm.s32 $_scs_section_size  }
0x9a: {  	s5 =	simm.s32 $_size__tile_overlayer_lowered;
	s6 =	simm.s32 $_tile_overlayer_lowered  }
0x9b: {  	s22 =	simm.s32 $0x1BFF;
	s21 =	sshll.u32 s6, $0x1;
	s3 =	sadd.s32 s4, s19  }
0x9c: {  	s7 =	simm.s32 $0x0;
	s20 =	sshll.u32 s5, $0x1;
	s5 =	sadd.s32 s21, s3  }
0x9d: {  	[timem:s7], [sflag:s22] =	dma.local [hbm:s5], s20  }
0x9e: {  	_ =	swait.ge [sflag:s22], s20  }
0x9f: {  	s4 =	ssub.s32 $0x0, s20;
	[sflag:s22] =	ssyncset.done $0x0  }
0xa0: {  	[sflag:s22] =	ssyncadd.s32 s4;
	_ =	sdelay $0x1  }
0xa1: {  	s23 =	simm.s32 $0x1B8B  }
0xa2: {  	_ =	swait.ge [sflag:s23], $0x1  }
0xa3: {  	[sflag:s23] =	ssyncset.done $0x0  }
0xa4: {  	s25 =	simm.s32 $0x1B8E;
	s24 =	sld [smem:$0x3FFE];
	[sflag:s23] =	ssyncadd.s32 $0xFFFFFFFF  }
0xa5: {  	s26 =	simm.s32 $execute0_lowered;
	[smem:$0x3FD2] =	sst s25  }
0xa6: {  	s5 =	sshll.u32 s26, $0x1;
	_ =	strace $0x80000046;
	[dreg:$0x1] =	wrdreg $0xFFFFFFFF  }
0xa7: {  	s28 =	simm.s32 $_size_execute0_lowered;
	s3 =	sadd.s32 s3, s5;
	[dreg:$0x0] =	wrdreg $0x0  }
0xa8: {  	s5 =	sshll.u32 s28, $0x1;
	[dreg:$0x2] =	wrdreg s3  }
0xa9: {  	[dreg:$0x3] =	wrdreg s5  }
0xaa: {  	[dreg:$0x4] =	wrdreg $0xC0  }
0xab: {  	_ =	task [dreg:s7], $0x5FFFF  }
0xac: {  	[dreg:$0x1] =	wrdreg $0xFFFFFFFF  }
0xad: {  	[dreg:$0x0] =	wrdreg $0x60  }
0xae: {  	[dreg:$0x2] =	wrdreg s24  }
0xaf: {  	[dreg:$0x3] =	wrdreg s2  }
0xb0: {  	[dreg:$0x4] =	wrdreg $0xC2000  }
0xb1: {  	[dreg:$0x5] =	wrdreg $0xA  }
0xb2: {  	_ =	task.clear_ibuf [dreg:s7], $0x6FFFF;
	_ =	strace $0x90000046  }
0xb3: {  	s29 =	simm.s32 $0xA;
	_ =	strace $0x80000048  }
0xb4: {  	_ =	swait.ge [sflag:s29], $0x1  }
0xb5: {  	[sflag:s29] =	ssyncadd.s32 $0xFFFFFFFF  }
0xb6: {  	_ =	strace $0x90000048  }
0xb7: {  	_ =	sfence  }
0xb8: {  	s30 =	sld [smem:$0x0];
	_ =	sdelay $0x2  }
0xb9: {  	s31 =	sshll.u32 s1, $0xD;
	s1 =	sshrl.u32 s1, $0x2  }
0xba: {  	s3 =	sand.u32 $0x4000, s31;
	s1 =	sadd.s32 s1, s30  }
0xbb: {  	s0 =	sor.u32 s3, s0;
	s1 =	sshll.u32 s1, $0x11  }
0xbc: {  	s0 =	sor.u32 s1, s0  }
0xbd: {  	s0 =	sadd.s32 $0x8F2B, s0  }
0xbe: {  	[sflag:s0] =	ssyncadd.remote.s32 $0x1  }
0xbf: {  	_ =	sfence.sel $0xFFFF  }
0xc0: {  	[dreg:$0x0] =	wrdreg $0xFFFFFFFF;
	(pc) =	sbr.abs _section_cstart, $3  }
0xc1: {  	[dreg:$0x1] =	wrdreg $0xFFFFFFFF  }
0xc2: {  	_ =	task.clear_ibuf [dreg:s7], $0x2FFFF;
	_ =	strace $0x9FFFFFFF  }
0xc3: {  	(tm) =	ssettm $0x7FFFFFFF  }
tec
execute0_lowered:
.L_overlay_start_1:
0x0: {  	(tag) =	ssettag $0x1  }
0x1: {  	s0 =	rddreg [dreg:$0x0]  }
0x2: {  	s1 =	rddreg [dreg:$0x1]  }
0x3: {  	s2 =	rddreg [dreg:$0x2]  }
0x4: {  	s13 =	stileid.u32;
	s4 =	srdreg.scid  }
0x5: {  	s3 =	simm.s32 $0x0;
	s29 =	simm.s32 $0x1;
	s5 =	smul.u32 $0x2800, s13  }
0x6: {  	s30 =	simm.s32 $0x2;
	s31 =	simm.s32 $0x8100;
	s8 =	smul.u32 $0x1388, s13  }
0x7: {  	s4 =	sand.u32 $0x1, s4;
	[smem:$0x7FF] =	sst s3;
	s10 =	smul.u32 $0x50000, s13  }
0x8: {  	s7 =	sadd.s32 $0x1400, s0;
	s14 =	sadd.s32 $0x299600, s0;
	s12 =	smul.u32 $0x14000, s13  }
0x9: {  	s17 =	sadd.s32 $0x12C000, s2;
	p0 =	seq.s32 s13, $0xF;
	s6 =	smul.u32 $0x13880, s4  }
0xa: {  	_ =	strace $0x80000047;
	s9 =	ssub.s32 $0x2, s4;
	s4 =	smul.u32 $0x138800, s4  }
0xb: {  	s5 =	sadd.s32 s5, s0;
	s11 =	sshrl.u32 s9, $0x1;
	s21 =	sshrl.u32 s10, $0x2  }
0xc: {  	s0 =	sadd.s32 $0x297C00, s0;
	s6 =	sadd.s32 s8, s6;
	s15 =	ssub.s32 s9, s11  }
0xd: {  	s8 =	sadd.s32 s21, s2;
	s5 =	sadd.s32 $0x272400, s5;
	[dreg:$0x6] =	wrdreg s0  }
0xe: {  	s18 =	sadd.s32 s12, s4;
	s20 =	sshrl.u32 s4, $0x3;
	[dreg:$0x4] =	wrdreg s8  }
0xf: {  	s22 =	sshrl.u32 s6, $0x3;
	[dreg:$0x5] =	wrdreg s5;
	s25 =	sshll.u32 s6, $0x4  }
0x10: {  	s26 =	sadd.s32 $0x27108, s6;
	s28 =	sadd.s32 $0x27188, s6;
	s21 =	sadd.s32 s14, s20  }
0x11: {  	s15 =	smax.u32 s15, $0x1;
	s20 =	sshrl.u32 @p0 s17, $0x3;
	s23 =	sadd.s32 s1, s22  }
0x12: {  	s5 =	sshrl.u32 s26, $0x3;
	s8 =	sadd.s32 s7, s25;
	s24 =	sadd.s32 $0x4E20, s23  }
0x13: {  	s11 =	sshrl.u32 s28, $0x3;
	s9 =	sadd.s32 s1, s5;
	[dreg:$0x7] =	wrdreg s24  }
0x14: {  	s22 =	smul.u32 $0x13880, s13;
	s16 =	sadd.s32 $0x80, s8;
	[dreg:$0x8] =	wrdreg s9  }
0x15: {  	s26 =	sadd.s32 $0x27288, s6;
	s0 =	sadd.s32 s1, s11;
	[dreg:$0x9] =	wrdreg s16  }
0x16: {  	s28 =	sadd.s32 $0x27208, s6;
	s19 =	sadd.s32 $0x880, s8;
	[dreg:$0xa] =	wrdreg s0  }
0x17: {  	s23 =	sadd.s32 s4, s7;
	s4 =	sshrl.u32 s28, $0x3;
	[dreg:$0xb] =	wrdreg s19  }
0x18: {  	s0 =	sshrl.u32 s18, $0x3;
	s24 =	sadd.s32 $0x27308, s6;
	s16 =	sadd.s32 s22, s23  }
0x19: {  	s19 =	sadd.s32 s4, s1;
	s22 =	simm.s32 $0xC180;
	s23 =	simm.s32 $0x7  }
0x1a: {  	s0 =	sadd.s32 s14, s0;
	s25 =	sshrl.u32 s24, $0x3;
	s24 =	simm.s32 $0x80  }
0x1b: {  	[dreg:$0xc] =	wrdreg s0;
	s0 =	sadd.s32 $0x25800, s21;
	s7 =	sadd.s32 s25, s1  }
0x1c: {  	s25 =	simm.s32 $0x4;
	[dreg:$0xd] =	wrdreg s0;
	s0 =	sshrl.u32 s26, $0x3  }
0x1d: {  	s26 =	simm.s32 $0x0;
	s18 =	sadd.s32 s0, s1;
	s0 =	sshll.u32 @!p0 s13, $0x6  }
0x1e: {  	s1 =	simm.s32 $0x3;
	s21 =	sor.u32 @!p0 $0x1C07, s0;
	s0 =	simm.s32 $0x8180  }
.LBB2_1:
0x1f: {  	s4 =	simm.s32 @p0 $0x1FC7;
	s5 =	rddreg [dreg:$0x6]  }
0x20: {  	[spmem:s20], [sflag:s4] =	dma.local @p0 [hbm:s5], $0x1900  }
0x21: {  	s4 =	simm.s32 @p0 $0x7  }
0x22: {  	_ =	swait.ge @p0 [sflag:s4], $0x1900  }
0x23: {  	[sflag:s4] =	ssyncset.done @p0 $0x0  }
0x24: {  	[sflag:s4] =	ssyncadd.s32 @p0 $0xFFFFE700;
	s4 =	rddreg [dreg:$0x4]  }
0x25: {  	s28 =	sshrl.u32 @!p0 s4, $0x3;
	s4 =	rddreg [dreg:$0x5]  }
0x26: {  	[spmem:s28], [sflag:s21] =	dma.local @!p0 [hbm:s4], $0x2800  }
0x27: {  	s4 =	simm.s32 @!p0 $0x7  }
0x28: {  	_ =	swait.ge @!p0 [sflag:s4], $0x2800  }
0x29: {  	[sflag:s4] =	ssyncset.done @!p0 $0x0  }
0x2a: {  	[sflag:s4] =	ssyncadd.s32 @!p0 $0xFFFFD800  }
0x2b: {  	[bflag:$0x0] =	sbarrier.arrive $0xFFFF  }
0x2c: {  	s5 =	rddreg [dreg:$0x7]  }
0x2d: {  	[tilespmem:s22], [sflag:$0x7] =	stream.linear.gather [hbm4b:s5+s3], $0x8, $0x38;
	[tilespmem:$0x1FA80] =	vst v63  }
0x2e: {  	_ =	swait.ge [sflag:s23], $0x8  }
0x2f: {  	[sflag:s23] =	ssyncset.done $0x0  }
0x30: {  	[sflag:s23] =	ssyncadd.s32 $0xFFFFFFF8  }
0x31: {  	[tilespmem:s24], [sflag:$0x7] =	stream.linear.gather [hbm4b:s8+s3], $0x400, $0x38;
	[tilespmem:$0x1FA80] =	vst v63  }
0x32: {  	_ =	swait.ge [sflag:s23], $0x400  }
0x33: {  	[sflag:s23] =	ssyncset.done $0x0  }
0x34: {  	s6 =	simm.s32 $0x8;
	[sflag:s23] =	ssyncadd.s32 $0xFFFFFC00  }
0x35: {  	[spmem:s2] =	stream.indirect.scatter.add.f32 [tilespmem:s24], [sflag:$0x7], $0x80, s22, s6, $0xb8;
	[tilespmem:$0x1FA80] =	vst v63  }
0x36: {  	_ =	swait.ge [sflag:s23], $0x400  }
0x37: {  	[sflag:s23] =	ssyncset.done $0x0  }
0x38: {  	s9 =	rddreg [dreg:$0x8];
	[sflag:s23] =	ssyncadd.s32 $0xFFFFFC00  }
0x39: {  	[tilespmem:s3], [sflag:$0x1] =	stream.linear.gather [hbm4b:s9+s3], $0x80, $0x38;
	[tilespmem:$0x1FA80] =	vst v63  }
0x3a: {  	s10 =	rddreg [dreg:$0x9]  }
0x3b: {  	[tilespmem:s24], [sflag:$0x2] =	stream.linear.gather [hbm4b:s10+s3], $0x4000, $0x38;
	[tilespmem:$0x1FA80] =	vst v63  }
0x3c: {  	s12 =	simm.s32 $0x4080;
	s11 =	rddreg [dreg:$0xa]  }
0x3d: {  	[tilespmem:s12], [sflag:$0x3] =	stream.linear.gather [hbm4b:s11+s3], $0x80, $0x38;
	[tilespmem:$0x1FA80] =	vst v63  }
0x3e: {  	s14 =	simm.s32 $0x4100;
	s13 =	rddreg [dreg:$0xb]  }
0x3f: {  	[tilespmem:s14], [sflag:$0x4] =	stream.linear.gather [hbm4b:s13+s3], $0x4000, $0x38;
	[tilespmem:$0x1FA80] =	vst v63  }
0x40: {  	_ =	swait.ge [sflag:s29], $0x80  }
0x41: {  	[sflag:s29] =	ssyncset.done $0x0  }
0x42: {  	[sflag:s29] =	ssyncadd.s32 $0xFFFFFF80  }
0x43: {  	_ =	swait.ge [sflag:s30], $0x4000  }
0x44: {  	[sflag:s30] =	ssyncset.done $0x0  }
0x45: {  	s17 =	sadd.s32 $0x0, s16;
	[sflag:s30] =	ssyncadd.s32 $0xFFFFC000  }
0x46: {  	[tilespmem:s31], [sflag:$0x5] =	stream.linear.gather [hbm4b:s19+s3], $0x80, $0x38;
	[tilespmem:$0x1FA80] =	vst v63  }
0x47: {  	s4 =	sadd.s32 $0x1080, s17  }
0x48: {  	[tilespmem:s0], [sflag:$0x6] =	stream.linear.gather [hbm4b:s4+s3], $0x4000, $0x38;
	[tilespmem:$0x1FA80] =	vst v63  }
0x49: {  	_ = 	snop  }
0x4a: {  	[spmem:s2] =	stream.indirect.scatter.add.f32 [tilespmem:s24], [sflag:$0x7], $0x80, s3, s24, $0xb8;
	[tilespmem:$0x1FA80] =	vst v63  }
0x4b: {  	_ =	swait.ge [sflag:s23], $0x4000  }
0x4c: {  	[sflag:s23] =	ssyncset.done $0x0  }
0x4d: {  	[sflag:s23] =	ssyncadd.s32 $0xFFFFC000  }
0x4e: {  	_ =	swait.ge [sflag:s1], $0x80  }
0x4f: {  	[sflag:s1] =	ssyncset.done $0x0  }
0x50: {  	[sflag:s1] =	ssyncadd.s32 $0xFFFFFF80  }
0x51: {  	p1 =	por $0x0, $0x0;
	_ =	swait.ge [sflag:s25], $0x4000  }
0x52: {  	s17 =	simm.s32 @p1 $0x7;
	s5 =	simm.s32 @p1 $0x4080;
	[sflag:s25] =	ssyncset.done $0x0  }
0x53: {  	s6 =	simm.s32 @p1 $0x4100;
	s4 =	simm.s32 @p1 $0x80;
	[sflag:s25] =	ssyncadd.s32 $0xFFFFC000  }
0x54: {  	[spmem:s2] =	stream.indirect.scatter.add.f32 @p1 [tilespmem:s6], [sflag:$0x7], $0x80, s5, s4, $0xb8;
	[tilespmem:$0x1FA80] =	vst v63  }
0x55: {  	_ =	swait.ge @p1 [sflag:s17], $0x4000  }
0x56: {  	[sflag:s17] =	ssyncset.done @p1 $0x0  }
0x57: {  	s4 =	simm.s32 @p1 $0x5;
	[sflag:s17] =	ssyncadd.s32 @p1 $0xFFFFC000  }
0x58: {  	_ =	swait.ge @p1 [sflag:s4], $0x80  }
0x59: {  	[sflag:s4] =	ssyncset.done @p1 $0x0  }
0x5a: {  	s5 =	simm.s32 @p1 $0x6;
	[sflag:s4] =	ssyncadd.s32 @p1 $0xFFFFFF80  }
0x5b: {  	_ =	swait.ge @p1 [sflag:s5], $0x4000  }
0x5c: {  	[sflag:s5] =	ssyncset.done @p1 $0x0  }
0x5d: {  	s6 =	simm.s32 @!p1 $0x0;
	s4 =	sadd.s32 @!p1 $0x0, s16;
	[sflag:s5] =	ssyncadd.s32 @p1 $0xFFFFC000  }
0x5e: {  	[tilespmem:s6], [sflag:$0x1] =	stream.linear.gather @!p1 [hbm4b:s18+s6], $0x80, $0x38;
	[tilespmem:$0x1FA80] =	vst v63  }
0x5f: {  	s17 =	simm.s32 @!p1 $0x80;
	s5 =	sadd.s32 @!p1 $0x1880, s4  }
0x60: {  	[tilespmem:s17], [sflag:$0x2] =	stream.linear.gather @!p1 [hbm4b:s5+s6], $0x4000, $0x38;
	[tilespmem:$0x1FA80] =	vst v63  }
0x61: {  	s9 =	simm.s32 @!p1 $0x4100;
	s5 =	simm.s32 @!p1 $0x4080  }
0x62: {  	[spmem:s2] =	stream.indirect.scatter.add.f32 @!p1 [tilespmem:s9], [sflag:$0x7], $0x80, s5, s17, $0xb8;
	[tilespmem:$0x1FA80] =	vst v63  }
0x63: {  	s17 =	simm.s32 @!p1 $0x7  }
0x64: {  	_ =	swait.ge @!p1 [sflag:s17], $0x4000  }
0x65: {  	[sflag:s17] =	ssyncset.done @!p1 $0x0  }
0x66: {  	[sflag:s17] =	ssyncadd.s32 @!p1 $0xFFFFC000;
	s17 =	simm.s32 @!p1 $0x5  }
0x67: {  	_ =	swait.ge @!p1 [sflag:s17], $0x80  }
0x68: {  	[sflag:s17] =	ssyncset.done @!p1 $0x0  }
0x69: {  	[sflag:s17] =	ssyncadd.s32 @!p1 $0xFFFFFF80;
	s17 =	simm.s32 @!p1 $0x6  }
0x6a: {  	_ =	swait.ge @!p1 [sflag:s17], $0x4000  }
0x6b: {  	[sflag:s17] =	ssyncset.done @!p1 $0x0  }
0x6c: {  	[sflag:s17] =	ssyncadd.s32 @!p1 $0xFFFFC000  }
0x6d: {  	[tilespmem:s5], [sflag:$0x3] =	stream.linear.gather @!p1 [hbm4b:s7+s6], $0x80, $0x38;
	[tilespmem:$0x1FA80] =	vst v63  }
0x6e: {  	s4 =	sadd.s32 @!p1 $0x2080, s4  }
0x6f: {  	[tilespmem:s9], [sflag:$0x4] =	stream.linear.gather @!p1 [hbm4b:s4+s6], $0x4000, $0x38;
	[tilespmem:$0x1FA80] =	vst v63  }
0x70: {  	s17 =	smov.u32 s7;
	s5 =	sadd.s32 $0x30, s18  }
0x71: {  	[spmem:s2] =	stream.indirect.scatter.add.f32 [tilespmem:s0], [sflag:$0x7], $0x80, s31, s24, $0xb8;
	[tilespmem:$0x1FA80] =	vst v63  }
0x72: {  	s4 =	simm.s32 $0x1800;
	s6 =	sadd.s32 $0x30, s19;
	_ =	swait.ge [sflag:s23], $0x4000  }
.LBB2_2:
0x73: {  	[sflag:s23] =	ssyncset.done $0x0  }
0x74: {  	s17 =	sadd.s32 $0x30, s17;
	s9 =	smov.u32 s4;
	s4 =	sadd.s32 $0x1800, s4  }
0x75: {  	p1 =	sne.s32 s4, $0x13800;
	[sflag:s23] =	ssyncadd.s32 $0xFFFFC000  }
0x76: {  	_ =	swait.ge [sflag:s29], $0x80  }
0x77: {  	[sflag:s29] =	ssyncset.done $0x0  }
0x78: {  	[sflag:s29] =	ssyncadd.s32 $0xFFFFFF80  }
0x79: {  	_ =	swait.ge [sflag:s30], $0x4000  }
0x7a: {  	[sflag:s30] =	ssyncset.done $0x0  }
0x7b: {  	s10 =	sadd.s32 s9, s16;
	[sflag:s30] =	ssyncadd.s32 $0xFFFFC000  }
0x7c: {  	[tilespmem:s31], [sflag:$0x5] =	stream.linear.gather [hbm4b:s6+s3], $0x80, $0x38;
	[tilespmem:$0x1FA80] =	vst v63  }
0x7d: {  	s10 =	sadd.s32 $0x1080, s10  }
0x7e: {  	[tilespmem:s0], [sflag:$0x6] =	stream.linear.gather [hbm4b:s10+s3], $0x4000, $0x38;
	[tilespmem:$0x1FA80] =	vst v63  }
0x7f: {  	_ = 	snop  }
0x80: {  	[spmem:s2] =	stream.indirect.scatter.add.f32 [tilespmem:s24], [sflag:$0x7], $0x80, s3, s24, $0xb8;
	[tilespmem:$0x1FA80] =	vst v63  }
0x81: {  	_ =	swait.ge [sflag:s23], $0x4000  }
0x82: {  	[sflag:s23] =	ssyncset.done $0x0  }
0x83: {  	[sflag:s23] =	ssyncadd.s32 $0xFFFFC000  }
0x84: {  	_ =	swait.ge [sflag:s1], $0x80  }
0x85: {  	[sflag:s1] =	ssyncset.done $0x0  }
0x86: {  	[sflag:s1] =	ssyncadd.s32 $0xFFFFFF80  }
0x87: {  	_ =	swait.ge [sflag:s25], $0x4000  }
0x88: {  	p2 =	seq.s32 s9, $0x12000;
	[sflag:s25] =	ssyncset.done $0x0  }
0x89: {  	s11 =	simm.s32 @p2 $0x4080;
	s10 =	simm.s32 @p2 $0x80;
	[sflag:s25] =	ssyncadd.s32 $0xFFFFC000  }
0x8a: {  	s12 =	simm.s32 @p2 $0x4100;
	s13 =	simm.s32 @p2 $0x7;
	s9 =	sadd.s32 @!p2 s9, s16  }
0x8b: {  	[spmem:s2] =	stream.indirect.scatter.add.f32 @p2 [tilespmem:s12], [sflag:$0x7], $0x80, s11, s10, $0xb8;
	[tilespmem:$0x1FA80] =	vst v63  }
0x8c: {  	s10 =	sadd.s32 @!p2 $0x1880, s9;
	s9 =	sadd.s32 @!p2 $0x2080, s9;
	_ =	swait.ge @p2 [sflag:s13], $0x4000  }
0x8d: {  	s11 =	simm.s32 @p2 $0x5;
	[sflag:s13] =	ssyncset.done @p2 $0x0  }
0x8e: {  	[sflag:s13] =	ssyncadd.s32 @p2 $0xFFFFC000  }
0x8f: {  	_ =	swait.ge @p2 [sflag:s11], $0x80  }
0x90: {  	s12 =	simm.s32 @p2 $0x6;
	[sflag:s11] =	ssyncset.done @p2 $0x0  }
0x91: {  	[sflag:s11] =	ssyncadd.s32 @p2 $0xFFFFFF80  }
0x92: {  	_ =	swait.ge @p2 [sflag:s12], $0x4000  }
0x93: {  	s11 =	simm.s32 @!p2 $0x0;
	[sflag:s12] =	ssyncset.done @p2 $0x0  }
0x94: {  	[sflag:s12] =	ssyncadd.s32 @p2 $0xFFFFC000;
	s12 =	simm.s32 @!p2 $0x80  }
0x95: {  	[tilespmem:s11], [sflag:$0x1] =	stream.linear.gather @!p2 [hbm4b:s5+s11], $0x80, $0x38;
	[tilespmem:$0x1FA80] =	vst v63  }
0x96: {  	s14 =	simm.s32 @!p2 $0x4100;
	s13 =	simm.s32 @!p2 $0x4080  }
0x97: {  	[tilespmem:s12], [sflag:$0x2] =	stream.linear.gather @!p2 [hbm4b:s10+s11], $0x4000, $0x38;
	[tilespmem:$0x1FA80] =	vst v63  }
0x98: {  	s10 =	simm.s32 @!p2 $0x7  }
0x99: {  	[spmem:s2] =	stream.indirect.scatter.add.f32 @!p2 [tilespmem:s14], [sflag:$0x7], $0x80, s13, s12, $0xb8;
	[tilespmem:$0x1FA80] =	vst v63  }
0x9a: {  	_ =	swait.ge @!p2 [sflag:s10], $0x4000  }
0x9b: {  	s12 =	simm.s32 @!p2 $0x5;
	[sflag:s10] =	ssyncset.done @!p2 $0x0  }
0x9c: {  	[sflag:s10] =	ssyncadd.s32 @!p2 $0xFFFFC000  }
0x9d: {  	_ =	swait.ge @!p2 [sflag:s12], $0x80  }
0x9e: {  	s10 =	simm.s32 @!p2 $0x6;
	[sflag:s12] =	ssyncset.done @!p2 $0x0  }
0x9f: {  	[sflag:s12] =	ssyncadd.s32 @!p2 $0xFFFFFF80  }
0xa0: {  	_ =	swait.ge @!p2 [sflag:s10], $0x4000  }
0xa1: {  	[sflag:s10] =	ssyncset.done @!p2 $0x0  }
0xa2: {  	[sflag:s10] =	ssyncadd.s32 @!p2 $0xFFFFC000  }
0xa3: {  	[tilespmem:s13], [sflag:$0x3] =	stream.linear.gather @!p2 [hbm4b:s17+s11], $0x80, $0x38;
	[tilespmem:$0x1FA80] =	vst v63  }
.Ltmp0:
0xa4: {  	(pc) =	sbr.rel @p1 .LBB2_2-.Ltmp0, $4  }
0xa5: {  	[tilespmem:s14], [sflag:$0x4] =	stream.linear.gather @!p2 [hbm4b:s9+s11], $0x4000, $0x38;
	[tilespmem:$0x1FA80] =	vst v63  }
0xa6: {  	_ = 	snop  }
0xa7: {  	[spmem:s2] =	stream.indirect.scatter.add.f32 [tilespmem:s0], [sflag:$0x7], $0x80, s31, s24, $0xb8;
	[tilespmem:$0x1FA80] =	vst v63  }
0xa8: {  	s6 =	sadd.s32 $0x30, s6;
	s5 =	sadd.s32 $0x30, s5;
	_ =	swait.ge [sflag:s23], $0x4000  }
0xa9: {  	[sflag:s23] =	ssyncset.done $0x0  }
0xaa: {  	[sflag:s23] =	ssyncadd.s32 $0xFFFFC000  }
0xab: {  	[bflag:$0x0] =	sbarrier.arrive $0xFFFF  }
0xac: {  	s4 =	simm.s32 @p0 $0x1FC7;
	s5 =	rddreg [dreg:$0xd]  }
0xad: {  	[hbm:s5], [sflag:s4] =	dma.local @p0 [spmem:s20], $0x1900  }
0xae: {  	s4 =	simm.s32 @p0 $0x7  }
0xaf: {  	_ =	swait.ge @p0 [sflag:s4], $0x1900  }
0xb0: {  	s26 =	sadd.s32 $0x1, s26;
	[sflag:s4] =	ssyncset.done @p0 $0x0  }
0xb1: {  	p1 =	sne.s32 s26, s15;
	[sflag:s4] =	ssyncadd.s32 @p0 $0xFFFFE700;
	s4 =	rddreg [dreg:$0xc]  }
0xb2: {  	[hbm:s4], [sflag:s21] =	dma.local @!p0 [spmem:s28], $0x2800  }
.Ltmp1:
0xb3: {  	_ = 	snop;
	(pc) =	sbr.rel @p1 .LBB2_1-.Ltmp1, $4  }
0xb4: {  	s4 =	simm.s32 @!p0 $0x7  }
0xb5: {  	_ =	swait.ge @!p0 [sflag:s4], $0x2800  }
0xb6: {  	[sflag:s4] =	ssyncset.done @!p0 $0x0  }
0xb7: {  	[sflag:s4] =	ssyncadd.s32 @!p0 $0xFFFFD800  }
0xb8: {  	_ =	sfence.sel $0x180000  }
0xb9: {  	[bflag:$0x0] =	sbarrier.arrive $0xFFFF  }
0xba: {  	_ =	strace $0x90000047  }
0xbb: {  	s0 =	stileid.u32;
	[bflag:$0x2] =	sbarrier.arrive $0xFFFF  }
0xbc: {  	p0 =	sne.s32 s0, $0x0;
	s0 =	rddreg [dreg:$0x3]  }
0xbd: {  	s0 =	sadd.s32 @!p0 $0x100000, s0  }
0xbe: {  	[sflag:s0] =	ssyncadd.tile.s32 @!p0 $0x1;
	_ =	shalt  }
.Lfunc_end2:
_tile_overlayer_lowered:
.L_overlay_start_2:
0xbf: {  	(tag) =	ssettag $0x2  }
0xc0: {  	s0 =	rddreg [dreg:$0x0];
	s2 =	stileid.u32  }
0xc1: {  	s1 =	rddreg [dreg:$0x1];
	p0 =	sne.s32 s2, $0x0  }
0xc2: {  	s3 =	rddreg [dreg:$0x2];
	[bflag:$0x3] =	sbarrier.arrive $0xFFFF;
	s2 =	simm.s32 @!p0 $0x1C07  }
0xc3: {  	[timem:s3], [sflag:s2] =	dma.local @!p0 [hbm:s0], s1  }
0xc4: {  	s0 =	simm.s32 @!p0 $0x7  }
0xc5: {  	_ =	swait.ge @!p0 [sflag:s0], s1  }
0xc6: {  	s1 =	ssub.s32 @!p0 $0x0, s1;
	[sflag:s0] =	ssyncset.done @!p0 $0x0  }
0xc7: {  	[sflag:s0] =	ssyncadd.s32 @!p0 s1  }
0xc8: {  	[bflag:$0x3] =	sbarrier.arrive $0xFFFF  }
0xc9: {  	_ =	shalt  }

// kernel: kernel.7.cloned.1.call-start
scs
__scs_entry_jumppad:
0x0: {  	(pc) =	sbr.rel $0x88, $3  }
0x1: {  	(tag) =	ssettag $0x0;
	lr =	simm.s32 $0x1  }
0x2: {  	[smem:$0x3F99] =	sst lr;
	_ =	strace $0xD0000000  }
0x3: {  	_ = 	snop  }
0x4: {  	_ = 	snop  }
0x5: {  	_ = 	snop  }
0x6: {  	_ = 	snop  }
0x7: {  	_ = 	snop  }
__scs_overlays_trampoline_lowered:
0x8: {  	[smem:$0x3FA8] =	sst s0  }
0x9: {  	[smem:$0x3FA9] =	sst s1  }
0xa: {  	[smem:$0x3FAA] =	sst s2  }
0xb: {  	[smem:$0x3FAB] =	sst s3  }
0xc: {  	[smem:$0x3FAC] =	sst s4  }
0xd: {  	[smem:$0x3FAD] =	sst s5  }
0xe: {  	[smem:$0x3FAE] =	sst s6  }
0xf: {  	[smem:$0x3FAF] =	sst s7  }
0x10: {  	[smem:$0x3FB0] =	sst s8  }
0x11: {  	[smem:$0x3FB1] =	sst s9;
	s0 =	simm.s32 @!p0 $0x0  }
0x12: {  	s1 =	sld [smem:$0x3F97];
	s0 =	simm.s32 @p0 $0x1  }
0x13: {  	[smem:$0x3FB2] =	sst s0;
	s0 =	simm.s32 @!p1 $0x0  }
0x14: {  	s2 =	sld [smem:$0x3F96];
	s0 =	simm.s32 @p1 $0x1  }
0x15: {  	[smem:$0x3FB3] =	sst s0;
	s0 =	simm.s32 @!p2 $0x0  }
0x16: {  	s3 =	sld [smem:$0x3FDB];
	s0 =	simm.s32 @p2 $0x1  }
0x17: {  	s4 =	simm.s32 $0x1BF5;
	[smem:$0x3FB5] =	sst s0  }
0x18: {  	s0 =	sld [smem:$0x3F98];
	_ =	swait.ge [sflag:s4], $0x0  }
0x19: {  	s7 =	sld [smem:$0x3F99]  }
0x1a: {  	s8 =	sadd.s32 $0xFFFFE003, lr  }
0x1b: {  	s9 =	sadd.s32 $0xFFFFFEF7, lr;
	s5 =	simm.s32 $0xFFFFFFFF;
	p2 =	slt.u32 s8, $0xFFFFF086  }
0x1c: {  	p1 =	slt.u32 s9, $0xF7A;
	s5 =	simm.s32 @!p2 $0x0  }
0x1d: {  	s5 =	simm.s32 @p1 $0x1;
	p0 =	seq.s32 s7, s2  }
0x1e: {  	s7 =	smul.u32 @!p0 $0xF7A, s2;
	p2 =	seq.s32 @!p0 s5, $0x0  }
0x1f: {  	s9 =	smul.u32 $0xF7A, s1;
	s8 =	simm.s32 @!p0 $0x1BF5;
	p2 =	por !p2, p0  }
0x20: {  	[sflag:s8] =	ssyncset.s32 @!p0 $0xFFFFF086;
	s6 =	sadd.s32 @!p0 s3, s7;
	s7 =	simm.s32 @!p0 $0x108  }
0x21: {  	s3 =	sadd.s32 s3, s9;
	s6 =	sadd.s32 @!p0 $0x88, s6;
	s7 =	simm.s32 @p2 $0x1082  }
0x22: {  	[simem:s7], [sflag:s8] =	dma.local @!p0 [hbm:s6], $0xF7A  }
0x23: {  	s9 =	sor.u32 $0xD0000000, s2;
	s6 =	simm.s32 $0x108;
	_ =	swait.ge @!p0 [sflag:s8], $0x0  }
0x24: {  	s3 =	sadd.s32 $0x88, s3;
	s6 =	simm.s32 @!p1 $0x1082;
	[sflag:s4] =	ssyncset.s32 $0xFFFFF086  }
0x25: {  	[simem:s6], [sflag:s4] =	dma.local [hbm:s3], $0xF7A  }
0x26: {  	[smem:$0x3F99] =	sst s1;
	(tag) =	ssettag s2;
	_ =	strace s9  }
0x27: {  	s1 =	sld [smem:$0x3FA9]  }
0x28: {  	s2 =	sld [smem:$0x3FAA]  }
0x29: {  	s4 =	sld [smem:$0x3FAC]  }
0x2a: {  	p0 =	seq.s32 s5, $0x0;
	s5 =	sld [smem:$0x3FAD]  }
0x2b: {  	s6 =	sld [smem:$0x3FAE]  }
0x2c: {  	s7 =	sld [smem:$0x3FAF]  }
0x2d: {  	s3 =	simm.s32 $0x108;
	s8 =	sld [smem:$0x3FB0]  }
0x2e: {  	s3 =	simm.s32 @!p0 $0x1082;
	s9 =	sld [smem:$0x3FB1]  }
0x2f: {  	lr =	sadd.s32 s0, s3;
	s0 =	sld [smem:$0x3FA8]  }
0x30: {  	s3 =	sld [smem:$0x3FAB]  }
0x31: {  	[smem:$0x3FB4] =	sst s10  }
0x32: {  	s10 =	sld [smem:$0x3FB2];
	_ =	sdelay $0x3  }
0x33: {  	p0 =	seq.s32 s10, $0x1;
	s10 =	sld [smem:$0x3FB4];
	_ =	sdelay $0x3  }
0x34: {  	[smem:$0x3FB4] =	sst s10  }
0x35: {  	s10 =	sld [smem:$0x3FB3];
	_ =	sdelay $0x3  }
0x36: {  	p1 =	seq.s32 s10, $0x1;
	s10 =	sld [smem:$0x3FB4];
	_ =	sdelay $0x3  }
0x37: {  	[smem:$0x3FB4] =	sst s10  }
0x38: {  	s10 =	sld [smem:$0x3FB5]  }
0x39: {  	_ = 	snop;
	(pc) =	sbr.ind lr, $3  }
0x3a: {  	_ = 	snop  }
0x3b: {  	_ = 	snop  }
0x3c: {  	p2 =	seq.s32 s10, $0x1;
	s10 =	sld [smem:$0x3FB4]  }
0x3d: {  	_ =	shalt  }
0x3e: {  	_ =	shalt  }
0x3f: {  	_ =	shalt  }
0x40: {  	_ =	shalt  }
0x41: {  	_ =	shalt  }
0x42: {  	_ =	shalt  }
0x43: {  	_ =	shalt  }
0x44: {  	_ =	shalt  }
0x45: {  	_ =	shalt  }
0x46: {  	_ =	shalt  }
0x47: {  	_ =	shalt  }
0x48: {  	_ =	shalt  }
0x49: {  	_ =	shalt  }
0x4a: {  	_ =	shalt  }
0x4b: {  	_ =	shalt  }
0x4c: {  	_ =	shalt  }
0x4d: {  	_ =	shalt  }
0x4e: {  	_ =	shalt  }
0x4f: {  	_ =	shalt  }
0x50: {  	_ =	shalt  }
0x51: {  	_ =	shalt  }
0x52: {  	_ =	shalt  }
0x53: {  	_ =	shalt  }
0x54: {  	_ =	shalt  }
0x55: {  	_ =	shalt  }
0x56: {  	_ =	shalt  }
0x57: {  	_ =	shalt  }
0x58: {  	_ =	shalt  }
0x59: {  	_ =	shalt  }
0x5a: {  	_ =	shalt  }
0x5b: {  	_ =	shalt  }
0x5c: {  	_ =	shalt  }
0x5d: {  	_ =	shalt  }
0x5e: {  	_ =	shalt  }
0x5f: {  	_ =	shalt  }
0x60: {  	_ =	shalt  }
0x61: {  	_ =	shalt  }
0x62: {  	_ =	shalt  }
0x63: {  	_ =	shalt  }
0x64: {  	_ =	shalt  }
0x65: {  	_ =	shalt  }
0x66: {  	_ =	shalt  }
0x67: {  	_ =	shalt  }
0x68: {  	_ =	shalt  }
0x69: {  	_ =	shalt  }
0x6a: {  	_ =	shalt  }
0x6b: {  	_ =	shalt  }
0x6c: {  	_ =	shalt  }
0x6d: {  	_ =	shalt  }
0x6e: {  	_ =	shalt  }
0x6f: {  	_ =	shalt  }
0x70: {  	_ =	shalt  }
0x71: {  	_ =	shalt  }
0x72: {  	_ =	shalt  }
0x73: {  	_ =	shalt  }
0x74: {  	_ =	shalt  }
0x75: {  	_ =	shalt  }
0x76: {  	_ =	shalt  }
0x77: {  	_ =	shalt  }
0x78: {  	_ =	shalt  }
0x79: {  	_ =	shalt  }
0x7a: {  	_ =	shalt  }
0x7b: {  	_ =	shalt  }
0x7c: {  	_ =	shalt  }
0x7d: {  	_ =	shalt  }
0x7e: {  	_ =	shalt  }
0x7f: {  	_ =	shalt  }
0x80: {  	_ =	shalt  }
0x81: {  	_ =	shalt  }
0x82: {  	_ =	shalt  }
0x83: {  	_ =	shalt  }
0x84: {  	_ =	shalt  }
0x85: {  	_ =	shalt  }
0x86: {  	_ =	shalt  }
0x87: {  	_ =	shalt  }
.Lfunc_end0:
.L_simem_size_0:
called_computation_lowered:
.L_overlay_start_0:
0x88: {  	s2 =	sld [smem:$0x3FD9]  }
0x89: {  	s3 =	sld [smem:$0x3FFE];
	_ =	sdelay $0x1  }
0x8a: {  	s1 =	srdreg.scid  }
0x8b: {  	s0 =	sand.u32 $0x1, s1  }
0x8c: {  	s17 =	sshll.u32 s0, $0xA;
	s2 =	sadd.s32 s3, s2  }
0x8d: {  	s2 =	sadd.s32 s2, s17  }
0x8e: {  	[smem:$0x3FC0] =	sst s2  }
0x8f: {  	_ = 	snop  }
0x90: {  	s18 =	sld [smem:$0x3FC7];
	(tm) =	ssettm $0x1  }
0x91: {  	s19 =	sld [smem:$0x3FFB];
	_ =	sdelay $0x3  }
0x92: {  	_ =	strace s19  }
0x93: {  	s2 =	sld [smem:$0x3FFC];
	_ =	sdelay $0x3  }
0x94: {  	_ =	strace s2  }
0x95: {  	s2 =	sld [smem:$0x3FFD];
	_ =	sdelay $0x3  }
0x96: {  	_ =	strace s2  }
0x97: {  	_ =	strace $0x8FFFFFFF  }
0x98: {  	s20 =	sld [smem:$0x3FDB];
	_ =	sdelay $0x1  }
0x99: {  	s4 =	simm.s32 $_scs_section_size  }
0x9a: {  	s5 =	simm.s32 $_size__tile_overlayer_lowered;
	s6 =	simm.s32 $_tile_overlayer_lowered  }
0x9b: {  	s7 =	simm.s32 $0x1BFF;
	s21 =	sshll.u32 s6, $0x1;
	s4 =	sadd.s32 s4, s20  }
0x9c: {  	s22 =	simm.s32 $0x0;
	s5 =	sshll.u32 s5, $0x1;
	s6 =	sadd.s32 s21, s4  }
0x9d: {  	[timem:s22], [sflag:s7] =	dma.local [hbm:s6], s5  }
0x9e: {  	_ =	swait.ge [sflag:s7], s5  }
0x9f: {  	s5 =	ssub.s32 $0x0, s5;
	[sflag:s7] =	ssyncset.done $0x0  }
0xa0: {  	[sflag:s7] =	ssyncadd.s32 s5;
	_ =	sdelay $0x1  }
0xa1: {  	s23 =	simm.s32 $0x1B8B  }
0xa2: {  	_ =	swait.ge [sflag:s23], $0x1  }
0xa3: {  	[sflag:s23] =	ssyncset.done $0x0  }
0xa4: {  	[sflag:s23] =	ssyncadd.s32 $0xFFFFFFFF  }
0xa5: {  	s5 =	sld [smem:$0x0]  }
0xa6: {  	s6 =	sand.u32 $0xFFFFFFFE, s1  }
0xa7: {  	p0 =	sne.s32 s1, s6  }
0xa8: {  	s6 =	sshll.u32 @p0 s6, $0xE  }
0xa9: {  	s6 =	sadd.s32 @p0 $0x11B8D, s6;
	s7 =	sshll.u32 @p0 s5, $0x11  }
0xaa: {  	s6 =	sor.u32 @p0 s7, s6  }
0xab: {  	[sflag:s6] =	ssyncadd.remote.s32 @p0 $0x1;
	_ =	sdelay $0x1  }
0xac: {  	s6 =	simm.s32 @p0 $0x1B8D  }
0xad: {  	_ =	swait.eq @p0 [sflag:s6], $0x1  }
0xae: {  	[sflag:s6] =	ssyncadd.s32 @p0 $0xFFFFFFFF  }
0xaf: {  	s7 =	sshll.u32 @!p0 s1, $0xE  }
0xb0: {  	s7 =	sor.u32 @!p0 $0x4000, s7;
	s6 =	simm.s32 @!p0 $0x1B8D  }
0xb1: {  	s5 =	sshll.u32 @!p0 s5, $0x11;
	s7 =	sadd.s32 @!p0 $0x11B8D, s7;
	_ =	swait.eq @!p0 [sflag:s6], $0x1  }
0xb2: {  	s5 =	sor.u32 @!p0 s5, s7;
	[sflag:s6] =	ssyncadd.s32 @!p0 $0xFFFFFFFF  }
0xb3: {  	s25 =	simm.s32 $0x1B8E;
	s24 =	sld [smem:$0x3FFE];
	[sflag:s5] =	ssyncadd.remote.s32 @!p0 $0x1  }
0xb4: {  	s26 =	simm.s32 $execute0_lowered;
	[smem:$0x3FD2] =	sst s25  }
0xb5: {  	s6 =	sshll.u32 s26, $0x1;
	_ =	strace $0x80000049;
	[dreg:$0x1] =	wrdreg $0xFFFFFFFF  }
0xb6: {  	s28 =	simm.s32 $_size_execute0_lowered;
	s4 =	sadd.s32 s4, s6;
	[dreg:$0x0] =	wrdreg $0x0  }
0xb7: {  	s6 =	sshll.u32 s28, $0x1;
	[dreg:$0x2] =	wrdreg s4  }
0xb8: {  	[dreg:$0x3] =	wrdreg s6  }
0xb9: {  	[dreg:$0x4] =	wrdreg $0xC0  }
0xba: {  	_ =	task [dreg:s22], $0x5FFFF  }
0xbb: {  	[dreg:$0x1] =	wrdreg $0xFFFFFFFF  }
0xbc: {  	[dreg:$0x0] =	wrdreg $0x60  }
0xbd: {  	[dreg:$0x2] =	wrdreg s24  }
0xbe: {  	[dreg:$0x3] =	wrdreg s18  }
0xbf: {  	[dreg:$0x4] =	wrdreg $0xC2000  }
0xc0: {  	[dreg:$0x5] =	wrdreg $0x9  }
0xc1: {  	_ =	task.clear_ibuf [dreg:s22], $0x6FFFF;
	_ =	strace $0x90000049  }
0xc2: {  	s29 =	simm.s32 $0x9;
	_ =	strace $0x8000004B  }
0xc3: {  	_ =	swait.ge [sflag:s29], $0x1  }
0xc4: {  	[sflag:s29] =	ssyncadd.s32 $0xFFFFFFFF  }
0xc5: {  	_ =	strace $0x9000004B  }
0xc6: {  	_ =	sfence  }
0xc7: {  	s30 =	sld [smem:$0x0];
	_ =	sdelay $0x2  }
0xc8: {  	s31 =	sshll.u32 s1, $0xD;
	s1 =	sshrl.u32 s1, $0x2  }
0xc9: {  	s4 =	sand.u32 $0x4000, s31;
	s1 =	sadd.s32 s1, s30  }
0xca: {  	s0 =	sor.u32 s4, s0;
	s1 =	sshll.u32 s1, $0x11  }
0xcb: {  	s0 =	sor.u32 s1, s0  }
0xcc: {  	s0 =	sadd.s32 $0x8F2B, s0  }
0xcd: {  	[sflag:s0] =	ssyncadd.remote.s32 $0x1  }
0xce: {  	_ =	sfence.sel $0xFFFF  }
0xcf: {  	[dreg:$0x0] =	wrdreg $0xFFFFFFFF;
	(pc) =	sbr.abs _section_cstart, $3  }
0xd0: {  	[dreg:$0x1] =	wrdreg $0xFFFFFFFF  }
0xd1: {  	_ =	task.clear_ibuf [dreg:s22], $0x2FFFF;
	_ =	strace $0x9FFFFFFF  }
0xd2: {  	(tm) =	ssettm $0x7FFFFFFF  }
0xd3: {  	_ =	shalt  }
tec
execute0_lowered:
.L_overlay_start_1:
0x0: {  	(tag) =	ssettag $0x1  }
0x1: {  	s0 =	rddreg [dreg:$0x0]  }
0x2: {  	s1 =	rddreg [dreg:$0x1]  }
0x3: {  	s2 =	rddreg [dreg:$0x2];
	s3 =	simm.s32 $0x0  }
0x4: {  	s12 =	stileid.u32;
	s5 =	srdreg.scid;
	s28 =	simm.s32 $0x1  }
0x5: {  	s29 =	simm.s32 $0x2;
	s30 =	simm.s32 $0x8100;
	s4 =	smul.u32 $0x2800, s12  }
0x6: {  	s31 =	simm.s32 $0x8180;
	[smem:$0x7FF] =	sst s3;
	s6 =	smul.u32 $0x50000, s12  }
0x7: {  	s5 =	sand.u32 $0x1, s5;
	s7 =	sadd.s32 $0x2E7800, s0;
	s11 =	smul.u32 $0x1388, s12  }
0x8: {  	s15 =	sadd.s32 $0x558800, s0;
	s25 =	sadd.s32 $0x12C000, s2;
	s14 =	smul.u32 $0x14000, s12  }
0x9: {  	s22 =	smul.u32 $0x13880, s12;
	p0 =	seq.s32 s12, $0xF;
	_ =	strace $0x8000004A  }
0xa: {  	s8 =	ssub.s32 $0x2, s5;
	s9 =	smul.u32 $0x13880, s5;
	[dreg:$0x6] =	wrdreg s25  }
0xb: {  	s5 =	smul.u32 $0x138800, s5;
	s4 =	sadd.s32 s4, s0;
	s10 =	sshrl.u32 s8, $0x1  }
0xc: {  	s6 =	sshrl.u32 s6, $0x2;
	s0 =	sadd.s32 $0x297C00, s0;
	s8 =	ssub.s32 s8, s10  }
0xd: {  	s6 =	sadd.s32 s6, s2;
	s4 =	sadd.s32 $0x272400, s4;
	[dreg:$0x7] =	wrdreg s0  }
0xe: {  	s18 =	sadd.s32 s14, s5;
	s20 =	sshrl.u32 s5, $0x3;
	[dreg:$0x4] =	wrdreg s6  }
0xf: {  	s23 =	sadd.s32 s5, s7;
	[dreg:$0x5] =	wrdreg s4;
	s4 =	sadd.s32 s11, s9  }
0x10: {  	s19 =	sshrl.u32 s18, $0x3;
	s21 =	sadd.s32 s15, s20;
	s26 =	sshrl.u32 s4, $0x3  }
0x11: {  	s6 =	sshll.u32 s4, $0x4;
	s9 =	sadd.s32 $0x8, s4;
	s13 =	sadd.s32 $0x88, s4  }
0x12: {  	s24 =	sadd.s32 $0x208, s4;
	s25 =	sadd.s32 $0x188, s4;
	s4 =	sadd.s32 $0x108, s4  }
0x13: {  	s0 =	sadd.s32 s1, s26;
	s10 =	sshrl.u32 s9, $0x3;
	s16 =	sshrl.u32 s13, $0x3  }
0x14: {  	s17 =	sshll.u32 s13, $0x4;
	[dreg:$0x8] =	wrdreg s0;
	s0 =	sadd.s32 s7, s6  }
0x15: {  	s6 =	sshll.u32 s9, $0x4;
	[dreg:$0x9] =	wrdreg s0;
	s0 =	sadd.s32 s1, s10  }
0x16: {  	s5 =	sshrl.u32 s25, $0x3;
	s11 =	sadd.s32 s7, s6;
	[dreg:$0xa] =	wrdreg s0  }
0x17: {  	s26 =	sshrl.u32 s4, $0x3;
	[dreg:$0xb] =	wrdreg s11;
	s0 =	sadd.s32 s1, s16  }
0x18: {  	s20 =	sadd.s32 s26, s1;
	s16 =	smax.u32 s8, $0x1;
	[dreg:$0xc] =	wrdreg s0  }
0x19: {  	s0 =	sadd.s32 s7, s17;
	s17 =	sadd.s32 s22, s23;
	s22 =	simm.s32 $0x7  }
0x1a: {  	s23 =	simm.s32 $0x80;
	[dreg:$0xd] =	wrdreg s0;
	s0 =	sadd.s32 s15, s19  }
0x1b: {  	s15 =	sadd.s32 $0x25800, s21;
	s19 =	sadd.s32 s5, s1;
	s21 =	simm.s32 $0xC180  }
0x1c: {  	[dreg:$0xe] =	wrdreg s0;
	s0 =	sshrl.u32 s24, $0x3;
	s24 =	simm.s32 $0x0  }
0x1d: {  	s8 =	sadd.s32 s0, s1;
	s0 =	simm.s32 $0x3;
	s1 =	simm.s32 $0x4  }
.LBB2_1:
0x1e: {  	s4 =	rddreg [dreg:$0x6]  }
0x1f: {  	s5 =	rddreg [dreg:$0x7];
	s25 =	sshrl.u32 @p0 s4, $0x3;
	s4 =	simm.s32 @p0 $0x1FC7  }
0x20: {  	[spmem:s25], [sflag:s4] =	dma.local @p0 [hbm:s5], $0x1900  }
0x21: {  	s4 =	simm.s32 @p0 $0x7  }
0x22: {  	_ =	swait.ge @p0 [sflag:s4], $0x1900  }
0x23: {  	s5 =	stileid.u32;
	[sflag:s4] =	ssyncset.done @p0 $0x0  }
0x24: {  	s5 =	sshll.u32 @!p0 s5, $0x6;
	[sflag:s4] =	ssyncadd.s32 @p0 $0xFFFFE700;
	s4 =	rddreg [dreg:$0x4]  }
0x25: {  	s26 =	sor.u32 @!p0 $0x1C07, s5;
	s5 =	rddreg [dreg:$0x5];
	s4 =	sshrl.u32 @!p0 s4, $0x3  }
0x26: {  	[spmem:s4], [sflag:s26] =	dma.local @!p0 [hbm:s5], $0x2800  }
0x27: {  	s5 =	simm.s32 @!p0 $0x7  }
0x28: {  	_ =	swait.ge @!p0 [sflag:s5], $0x2800  }
0x29: {  	[sflag:s5] =	ssyncset.done @!p0 $0x0  }
0x2a: {  	[sflag:s5] =	ssyncadd.s32 @!p0 $0xFFFFD800  }
0x2b: {  	[bflag:$0x0] =	sbarrier.arrive $0xFFFF  }
0x2c: {  	s6 =	rddreg [dreg:$0x8]  }
0x2d: {  	[tilespmem:s21], [sflag:$0x7] =	stream.linear.gather [hbm4b:s6+s3], $0x8, $0x38;
	[tilespmem:$0x1FA80] =	vst v63  }
0x2e: {  	_ =	swait.ge [sflag:s22], $0x8  }
0x2f: {  	[sflag:s22] =	ssyncset.done $0x0  }
0x30: {  	s7 =	rddreg [dreg:$0x9];
	[sflag:s22] =	ssyncadd.s32 $0xFFFFFFF8  }
0x31: {  	[tilespmem:s23], [sflag:$0x7] =	stream.linear.gather [hbm4b:s7+s3], $0x400, $0x38;
	[tilespmem:$0x1FA80] =	vst v63  }
0x32: {  	_ =	swait.ge [sflag:s22], $0x400  }
0x33: {  	[sflag:s22] =	ssyncset.done $0x0  }
0x34: {  	s9 =	simm.s32 $0x8;
	[sflag:s22] =	ssyncadd.s32 $0xFFFFFC00  }
0x35: {  	[spmem:s2] =	stream.indirect.scatter.add.f32 [tilespmem:s23], [sflag:$0x7], $0x80, s21, s9, $0xb8;
	[tilespmem:$0x1FA80] =	vst v63  }
0x36: {  	_ =	swait.ge [sflag:s22], $0x400  }
0x37: {  	[sflag:s22] =	ssyncset.done $0x0  }
0x38: {  	s10 =	rddreg [dreg:$0xa];
	[sflag:s22] =	ssyncadd.s32 $0xFFFFFC00  }
0x39: {  	[tilespmem:s3], [sflag:$0x1] =	stream.linear.gather [hbm4b:s10+s3], $0x80, $0x38;
	[tilespmem:$0x1FA80] =	vst v63  }
0x3a: {  	s11 =	rddreg [dreg:$0xb]  }
0x3b: {  	[tilespmem:s23], [sflag:$0x2] =	stream.linear.gather [hbm4b:s11+s3], $0x4000, $0x38;
	[tilespmem:$0x1FA80] =	vst v63  }
0x3c: {  	s6 =	simm.s32 $0x4080;
	s12 =	rddreg [dreg:$0xc]  }
0x3d: {  	[tilespmem:s6], [sflag:$0x3] =	stream.linear.gather [hbm4b:s12+s3], $0x80, $0x38;
	[tilespmem:$0x1FA80] =	vst v63  }
0x3e: {  	s14 =	simm.s32 $0x4100;
	s13 =	rddreg [dreg:$0xd]  }
0x3f: {  	[tilespmem:s14], [sflag:$0x4] =	stream.linear.gather [hbm4b:s13+s3], $0x4000, $0x38;
	[tilespmem:$0x1FA80] =	vst v63  }
0x40: {  	_ =	swait.ge [sflag:s28], $0x80  }
0x41: {  	[sflag:s28] =	ssyncset.done $0x0  }
0x42: {  	[sflag:s28] =	ssyncadd.s32 $0xFFFFFF80  }
0x43: {  	_ =	swait.ge [sflag:s29], $0x4000  }
0x44: {  	[sflag:s29] =	ssyncset.done $0x0  }
0x45: {  	s18 =	sadd.s32 $0x0, s17;
	[sflag:s29] =	ssyncadd.s32 $0xFFFFC000  }
0x46: {  	[tilespmem:s30], [sflag:$0x5] =	stream.linear.gather [hbm4b:s20+s3], $0x80, $0x38;
	[tilespmem:$0x1FA80] =	vst v63  }
0x47: {  	s5 =	sadd.s32 $0x1080, s18  }
0x48: {  	[tilespmem:s31], [sflag:$0x6] =	stream.linear.gather [hbm4b:s5+s3], $0x4000, $0x38;
	[tilespmem:$0x1FA80] =	vst v63  }
0x49: {  	_ = 	snop  }
0x4a: {  	[spmem:s2] =	stream.indirect.scatter.add.f32 [tilespmem:s23], [sflag:$0x7], $0x80, s3, s23, $0xb8;
	[tilespmem:$0x1FA80] =	vst v63  }
0x4b: {  	_ =	swait.ge [sflag:s22], $0x4000  }
0x4c: {  	[sflag:s22] =	ssyncset.done $0x0  }
0x4d: {  	[sflag:s22] =	ssyncadd.s32 $0xFFFFC000  }
0x4e: {  	_ =	swait.ge [sflag:s0], $0x80  }
0x4f: {  	[sflag:s0] =	ssyncset.done $0x0  }
0x50: {  	[sflag:s0] =	ssyncadd.s32 $0xFFFFFF80  }
0x51: {  	p1 =	por $0x0, $0x0;
	_ =	swait.ge [sflag:s1], $0x4000  }
0x52: {  	s18 =	simm.s32 @p1 $0x7;
	s7 =	simm.s32 @p1 $0x4100;
	[sflag:s1] =	ssyncset.done $0x0  }
0x53: {  	s6 =	simm.s32 @p1 $0x4080;
	s5 =	simm.s32 @p1 $0x80;
	[sflag:s1] =	ssyncadd.s32 $0xFFFFC000  }
0x54: {  	[spmem:s2] =	stream.indirect.scatter.add.f32 @p1 [tilespmem:s7], [sflag:$0x7], $0x80, s6, s5, $0xb8;
	[tilespmem:$0x1FA80] =	vst v63  }
0x55: {  	_ =	swait.ge @p1 [sflag:s18], $0x4000  }
0x56: {  	[sflag:s18] =	ssyncset.done @p1 $0x0  }
0x57: {  	s5 =	simm.s32 @p1 $0x5;
	[sflag:s18] =	ssyncadd.s32 @p1 $0xFFFFC000  }
0x58: {  	_ =	swait.ge @p1 [sflag:s5], $0x80  }
0x59: {  	[sflag:s5] =	ssyncset.done @p1 $0x0  }
0x5a: {  	s6 =	simm.s32 @p1 $0x6;
	[sflag:s5] =	ssyncadd.s32 @p1 $0xFFFFFF80  }
0x5b: {  	_ =	swait.ge @p1 [sflag:s6], $0x4000  }
0x5c: {  	[sflag:s6] =	ssyncset.done @p1 $0x0  }
0x5d: {  	s7 =	simm.s32 @!p1 $0x0;
	s5 =	sadd.s32 @!p1 $0x0, s17;
	[sflag:s6] =	ssyncadd.s32 @p1 $0xFFFFC000  }
0x5e: {  	[tilespmem:s7], [sflag:$0x1] =	stream.linear.gather @!p1 [hbm4b:s19+s7], $0x80, $0x38;
	[tilespmem:$0x1FA80] =	vst v63  }
0x5f: {  	s18 =	simm.s32 @!p1 $0x80;
	s6 =	sadd.s32 @!p1 $0x1880, s5  }
0x60: {  	[tilespmem:s18], [sflag:$0x2] =	stream.linear.gather @!p1 [hbm4b:s6+s7], $0x4000, $0x38;
	[tilespmem:$0x1FA80] =	vst v63  }
0x61: {  	s9 =	simm.s32 @!p1 $0x4100;
	s6 =	simm.s32 @!p1 $0x4080  }
0x62: {  	[spmem:s2] =	stream.indirect.scatter.add.f32 @!p1 [tilespmem:s9], [sflag:$0x7], $0x80, s6, s18, $0xb8;
	[tilespmem:$0x1FA80] =	vst v63  }
0x63: {  	s18 =	simm.s32 @!p1 $0x7  }
0x64: {  	_ =	swait.ge @!p1 [sflag:s18], $0x4000  }
0x65: {  	[sflag:s18] =	ssyncset.done @!p1 $0x0  }
0x66: {  	[sflag:s18] =	ssyncadd.s32 @!p1 $0xFFFFC000;
	s18 =	simm.s32 @!p1 $0x5  }
0x67: {  	_ =	swait.ge @!p1 [sflag:s18], $0x80  }
0x68: {  	[sflag:s18] =	ssyncset.done @!p1 $0x0  }
0x69: {  	[sflag:s18] =	ssyncadd.s32 @!p1 $0xFFFFFF80;
	s18 =	simm.s32 @!p1 $0x6  }
0x6a: {  	_ =	swait.ge @!p1 [sflag:s18], $0x4000  }
0x6b: {  	[sflag:s18] =	ssyncset.done @!p1 $0x0  }
0x6c: {  	[sflag:s18] =	ssyncadd.s32 @!p1 $0xFFFFC000  }
0x6d: {  	[tilespmem:s6], [sflag:$0x3] =	stream.linear.gather @!p1 [hbm4b:s8+s7], $0x80, $0x38;
	[tilespmem:$0x1FA80] =	vst v63  }
0x6e: {  	s5 =	sadd.s32 @!p1 $0x2080, s5  }
0x6f: {  	[tilespmem:s9], [sflag:$0x4] =	stream.linear.gather @!p1 [hbm4b:s5+s7], $0x4000, $0x38;
	[tilespmem:$0x1FA80] =	vst v63  }
0x70: {  	s18 =	smov.u32 s8;
	s6 =	sadd.s32 $0x30, s19  }
0x71: {  	[spmem:s2] =	stream.indirect.scatter.add.f32 [tilespmem:s31], [sflag:$0x7], $0x80, s30, s23, $0xb8;
	[tilespmem:$0x1FA80] =	vst v63  }
0x72: {  	s5 =	simm.s32 $0x1800;
	s7 =	sadd.s32 $0x30, s20;
	_ =	swait.ge [sflag:s22], $0x4000  }
.LBB2_2:
0x73: {  	[sflag:s22] =	ssyncset.done $0x0  }
0x74: {  	s18 =	sadd.s32 $0x30, s18;
	s9 =	smov.u32 s5;
	s5 =	sadd.s32 $0x1800, s5  }
0x75: {  	p1 =	sne.s32 s5, $0x13800;
	[sflag:s22] =	ssyncadd.s32 $0xFFFFC000  }
0x76: {  	_ =	swait.ge [sflag:s28], $0x80  }
0x77: {  	[sflag:s28] =	ssyncset.done $0x0  }
0x78: {  	[sflag:s28] =	ssyncadd.s32 $0xFFFFFF80  }
0x79: {  	_ =	swait.ge [sflag:s29], $0x4000  }
0x7a: {  	[sflag:s29] =	ssyncset.done $0x0  }
0x7b: {  	s10 =	sadd.s32 s9, s17;
	[sflag:s29] =	ssyncadd.s32 $0xFFFFC000  }
0x7c: {  	[tilespmem:s30], [sflag:$0x5] =	stream.linear.gather [hbm4b:s7+s3], $0x80, $0x38;
	[tilespmem:$0x1FA80] =	vst v63  }
0x7d: {  	s10 =	sadd.s32 $0x1080, s10  }
0x7e: {  	[tilespmem:s31], [sflag:$0x6] =	stream.linear.gather [hbm4b:s10+s3], $0x4000, $0x38;
	[tilespmem:$0x1FA80] =	vst v63  }
0x7f: {  	_ = 	snop  }
0x80: {  	[spmem:s2] =	stream.indirect.scatter.add.f32 [tilespmem:s23], [sflag:$0x7], $0x80, s3, s23, $0xb8;
	[tilespmem:$0x1FA80] =	vst v63  }
0x81: {  	_ =	swait.ge [sflag:s22], $0x4000  }
0x82: {  	[sflag:s22] =	ssyncset.done $0x0  }
0x83: {  	[sflag:s22] =	ssyncadd.s32 $0xFFFFC000  }
0x84: {  	_ =	swait.ge [sflag:s0], $0x80  }
0x85: {  	[sflag:s0] =	ssyncset.done $0x0  }
0x86: {  	[sflag:s0] =	ssyncadd.s32 $0xFFFFFF80  }
0x87: {  	_ =	swait.ge [sflag:s1], $0x4000  }
0x88: {  	p2 =	seq.s32 s9, $0x12000;
	[sflag:s1] =	ssyncset.done $0x0  }
0x89: {  	s11 =	simm.s32 @p2 $0x4080;
	s10 =	simm.s32 @p2 $0x80;
	[sflag:s1] =	ssyncadd.s32 $0xFFFFC000  }
0x8a: {  	s12 =	simm.s32 @p2 $0x4100;
	s13 =	simm.s32 @p2 $0x7;
	s9 =	sadd.s32 @!p2 s9, s17  }
0x8b: {  	[spmem:s2] =	stream.indirect.scatter.add.f32 @p2 [tilespmem:s12], [sflag:$0x7], $0x80, s11, s10, $0xb8;
	[tilespmem:$0x1FA80] =	vst v63  }
0x8c: {  	s10 =	sadd.s32 @!p2 $0x1880, s9;
	s9 =	sadd.s32 @!p2 $0x2080, s9;
	_ =	swait.ge @p2 [sflag:s13], $0x4000  }
0x8d: {  	s11 =	simm.s32 @p2 $0x5;
	[sflag:s13] =	ssyncset.done @p2 $0x0  }
0x8e: {  	[sflag:s13] =	ssyncadd.s32 @p2 $0xFFFFC000  }
0x8f: {  	_ =	swait.ge @p2 [sflag:s11], $0x80  }
0x90: {  	s12 =	simm.s32 @p2 $0x6;
	[sflag:s11] =	ssyncset.done @p2 $0x0  }
0x91: {  	[sflag:s11] =	ssyncadd.s32 @p2 $0xFFFFFF80  }
0x92: {  	_ =	swait.ge @p2 [sflag:s12], $0x4000  }
0x93: {  	s11 =	simm.s32 @!p2 $0x0;
	[sflag:s12] =	ssyncset.done @p2 $0x0  }
0x94: {  	[sflag:s12] =	ssyncadd.s32 @p2 $0xFFFFC000;
	s12 =	simm.s32 @!p2 $0x80  }
0x95: {  	[tilespmem:s11], [sflag:$0x1] =	stream.linear.gather @!p2 [hbm4b:s6+s11], $0x80, $0x38;
	[tilespmem:$0x1FA80] =	vst v63  }
0x96: {  	s14 =	simm.s32 @!p2 $0x4100;
	s13 =	simm.s32 @!p2 $0x4080  }
0x97: {  	[tilespmem:s12], [sflag:$0x2] =	stream.linear.gather @!p2 [hbm4b:s10+s11], $0x4000, $0x38;
	[tilespmem:$0x1FA80] =	vst v63  }
0x98: {  	s10 =	simm.s32 @!p2 $0x7  }
0x99: {  	[spmem:s2] =	stream.indirect.scatter.add.f32 @!p2 [tilespmem:s14], [sflag:$0x7], $0x80, s13, s12, $0xb8;
	[tilespmem:$0x1FA80] =	vst v63  }
0x9a: {  	_ =	swait.ge @!p2 [sflag:s10], $0x4000  }
0x9b: {  	s12 =	simm.s32 @!p2 $0x5;
	[sflag:s10] =	ssyncset.done @!p2 $0x0  }
0x9c: {  	[sflag:s10] =	ssyncadd.s32 @!p2 $0xFFFFC000  }
0x9d: {  	_ =	swait.ge @!p2 [sflag:s12], $0x80  }
0x9e: {  	s10 =	simm.s32 @!p2 $0x6;
	[sflag:s12] =	ssyncset.done @!p2 $0x0  }
0x9f: {  	[sflag:s12] =	ssyncadd.s32 @!p2 $0xFFFFFF80  }
0xa0: {  	_ =	swait.ge @!p2 [sflag:s10], $0x4000  }
0xa1: {  	[sflag:s10] =	ssyncset.done @!p2 $0x0  }
0xa2: {  	[sflag:s10] =	ssyncadd.s32 @!p2 $0xFFFFC000  }
0xa3: {  	[tilespmem:s13], [sflag:$0x3] =	stream.linear.gather @!p2 [hbm4b:s18+s11], $0x80, $0x38;
	[tilespmem:$0x1FA80] =	vst v63  }
.Ltmp0:
0xa4: {  	(pc) =	sbr.rel @p1 .LBB2_2-.Ltmp0, $4  }
0xa5: {  	[tilespmem:s14], [sflag:$0x4] =	stream.linear.gather @!p2 [hbm4b:s9+s11], $0x4000, $0x38;
	[tilespmem:$0x1FA80] =	vst v63  }
0xa6: {  	_ = 	snop  }
0xa7: {  	[spmem:s2] =	stream.indirect.scatter.add.f32 [tilespmem:s31], [sflag:$0x7], $0x80, s30, s23, $0xb8;
	[tilespmem:$0x1FA80] =	vst v63  }
0xa8: {  	s7 =	sadd.s32 $0x30, s7;
	s6 =	sadd.s32 $0x30, s6;
	_ =	swait.ge [sflag:s22], $0x4000  }
0xa9: {  	[sflag:s22] =	ssyncset.done $0x0  }
0xaa: {  	[sflag:s22] =	ssyncadd.s32 $0xFFFFC000  }
0xab: {  	s5 =	simm.s32 @p0 $0x1FC7;
	[bflag:$0x0] =	sbarrier.arrive $0xFFFF  }
0xac: {  	[hbm:s15], [sflag:s5] =	dma.local @p0 [spmem:s25], $0x1900  }
0xad: {  	s5 =	simm.s32 @p0 $0x7  }
0xae: {  	_ =	swait.ge @p0 [sflag:s5], $0x1900  }
0xaf: {  	s24 =	sadd.s32 $0x1, s24;
	[sflag:s5] =	ssyncset.done @p0 $0x0  }
0xb0: {  	p1 =	sne.s32 s24, s16;
	[sflag:s5] =	ssyncadd.s32 @p0 $0xFFFFE700;
	s5 =	rddreg [dreg:$0xe]  }
0xb1: {  	[hbm:s5], [sflag:s26] =	dma.local @!p0 [spmem:s4], $0x2800  }
.Ltmp1:
0xb2: {  	_ = 	snop;
	(pc) =	sbr.rel @p1 .LBB2_1-.Ltmp1, $4  }
0xb3: {  	s4 =	simm.s32 @!p0 $0x7  }
0xb4: {  	_ =	swait.ge @!p0 [sflag:s4], $0x2800  }
0xb5: {  	[sflag:s4] =	ssyncset.done @!p0 $0x0  }
0xb6: {  	[sflag:s4] =	ssyncadd.s32 @!p0 $0xFFFFD800  }
0xb7: {  	_ =	sfence.sel $0x180000  }
0xb8: {  	[bflag:$0x0] =	sbarrier.arrive $0xFFFF  }
0xb9: {  	_ =	strace $0x9000004A  }
0xba: {  	s0 =	stileid.u32;
	[bflag:$0x2] =	sbarrier.arrive $0xFFFF  }
0xbb: {  	p0 =	sne.s32 s0, $0x0;
	s0 =	rddreg [dreg:$0x3]  }
0xbc: {  	s0 =	sadd.s32 @!p0 $0x100000, s0  }
0xbd: {  	[sflag:s0] =	ssyncadd.tile.s32 @!p0 $0x1;
	_ =	shalt  }
.Lfunc_end2:
_tile_overlayer_lowered:
.L_overlay_start_2:
0xbe: {  	(tag) =	ssettag $0x2  }
0xbf: {  	s0 =	rddreg [dreg:$0x0];
	s2 =	stileid.u32  }
0xc0: {  	s1 =	rddreg [dreg:$0x1];
	p0 =	sne.s32 s2, $0x0  }
0xc1: {  	s3 =	rddreg [dreg:$0x2];
	[bflag:$0x3] =	sbarrier.arrive $0xFFFF;
	s2 =	simm.s32 @!p0 $0x1C07  }
0xc2: {  	[timem:s3], [sflag:s2] =	dma.local @!p0 [hbm:s0], s1  }
0xc3: {  	s0 =	simm.s32 @!p0 $0x7  }
0xc4: {  	_ =	swait.ge @!p0 [sflag:s0], s1  }
0xc5: {  	s1 =	ssub.s32 @!p0 $0x0, s1;
	[sflag:s0] =	ssyncset.done @!p0 $0x0  }
0xc6: {  	[sflag:s0] =	ssyncadd.s32 @!p0 s1  }
0xc7: {  	[bflag:$0x3] =	sbarrier.arrive $0xFFFF  }
0xc8: {  	_ =	shalt  }

</sc_bundles>
